<compile_context>
chip_gen: v7x
topology: tpu7x:2x2x1
jax: 0.10.2.dev20260603
libtpu: 0.0.44.dev20260713+nightly
codegen_flags: <defaults>
</compile_context>

<pallas_src>
import functools

import jax
import jax.numpy as jnp
from jax import lax
from jax.experimental import pallas as pl
from jax.experimental.pallas import tpu as pltpu
from jax.experimental.pallas import tpu_sc as plsc

N_NODES = 10000
N_EDGES = 320000
D = 128
HID = 128

NC = 2
NS = 16
NW = NC * NS
EPT = N_EDGES // NW
CH = 128
NCH = 80
NHALF = 2
CPH = NCH // NHALF
EPH = CPH * CH
NPAIR = CPH // 2
EPT_P = NCH * CH
N_PAD = 10240
RPT = N_PAD // NS
WCH = RPT // CH

_mesh = plsc.VectorSubcoreMesh(core_axis_name="c", subcore_axis_name="s")


@functools.partial(
    pl.kernel,
    out_type=(
        jax.ShapeDtypeStruct((NC * N_PAD, D), jnp.float32),
        jax.ShapeDtypeStruct((NC * N_PAD, D), jnp.float32),
    ),
    mesh=_mesh,
    scratch_types=[
        pltpu.VMEM((EPH,), jnp.int32),
        pltpu.VMEM((CPH, CH), jnp.int32),
        pltpu.VMEM((CH, D), jnp.float32),
        pltpu.VMEM((CH, D), jnp.float32),
        pltpu.VMEM_SHARED((N_PAD, D), jnp.float32),
        pltpu.SemaphoreType.DMA,
        pltpu.SemaphoreType.DMA,
        pltpu.SemaphoreType.DMA,
        pltpu.SemaphoreType.DMA,
    ],
)
def _sc_aggregate(src_hbm, tgt3_hbm, nf_hbm, zrows_hbm, ones_hbm,
                  psum_hbm, pcnt_hbm,
                  src_v, tgt_v, rows0, rows1, acc, g0, g1, s0, s1):
    c = lax.axis_index("c")
    s = lax.axis_index("s")
    wid = c * NS + s
    rbase = s * RPT
    obase = c * N_PAD + rbase

    HCH = CH // 2

    def gather(j, buf, sem):
        off = pl.multiple_of(j * CH, 8)
        off2 = pl.multiple_of(j * CH + HCH, 8)
        pltpu.async_copy(nf_hbm.at[src_v.at[pl.ds(off, HCH)]],
                         buf.at[pl.ds(0, HCH)], sem)
        pltpu.async_copy(nf_hbm.at[src_v.at[pl.ds(off2, HCH)]],
                         buf.at[pl.ds(HCH, HCH)], sem)

    def gwait(buf, sem):
        pltpu.make_async_copy(nf_hbm.at[src_v.at[pl.ds(0, HCH)]],
                              buf.at[pl.ds(0, HCH)], sem).wait()
        pltpu.make_async_copy(nf_hbm.at[src_v.at[pl.ds(0, HCH)]],
                              buf.at[pl.ds(HCH, HCH)], sem).wait()

    def scat(j, buf, sem):
        pltpu.async_copy(buf, acc.at[tgt_v.at[j]], sem, add=True)

    def swait(buf, sem):
        pltpu.make_async_copy(buf, acc.at[tgt_v.at[0]], sem).wait()

    scope = jax.named_scope
    with scope("z1"):
        pltpu.sync_copy(zrows_hbm.at[pl.ds(wid * CH, CH)], rows0)

    with scope("z1b"):
        for k in range(WCH):
            roff = pl.multiple_of(rbase + k * CH, 8)
            pltpu.async_copy(rows0, acc.at[pl.ds(roff, CH)], s0)
        for k in range(WCH):
            pltpu.make_async_copy(rows0, acc.at[pl.ds(rbase, CH)], s0).wait()
    plsc.subcore_barrier()

    for h in range(NHALF):
        pltpu.sync_copy(src_hbm.at[pl.ds(wid * EPT_P + h * EPH, EPH)], src_v)
        pltpu.sync_copy(tgt3_hbm.at[pl.ds(wid * NCH + h * CPH, CPH)], tgt_v)
        gather(0, rows0, g0)
        gather(1, rows1, g1)

        def sum_pair(jj, carry):
            j0 = jj * 2
            j1 = j0 + 1
            gwait(rows0, g0)
            scat(j0, rows0, s0)
            gwait(rows1, g1)
            scat(j1, rows1, s1)

            @pl.when(jj < NPAIR - 1)
            def _():
                swait(rows0, s0)
                gather(j0 + 2, rows0, g0)
                swait(rows1, s1)
                gather(j1 + 2, rows1, g1)

            return carry

        with scope("p1loop"):
            lax.fori_loop(0, NPAIR, sum_pair, 0)
            swait(rows0, s0)
            swait(rows1, s1)

    plsc.subcore_barrier()

    def write_acc(out_hbm):
        bufs = (rows0, rows1)
        gsems = (g0, g1)
        ssems = (s0, s1)
        for k in range(WCH):
            b, gs, ss = bufs[k % 2], gsems[k % 2], ssems[k % 2]
            roff = pl.multiple_of(rbase + k * CH, 8)
            ooff = pl.multiple_of(obase + k * CH, 8)
            if k >= 2:
                pltpu.make_async_copy(b, out_hbm.at[pl.ds(obase, CH)],
                                      ss).wait()
            pltpu.async_copy(acc.at[pl.ds(roff, CH)], b, gs)
            pltpu.make_async_copy(acc.at[pl.ds(rbase, CH)], b, gs).wait()
            pltpu.async_copy(b, out_hbm.at[pl.ds(ooff, CH)], ss)
        for k in range(max(0, WCH - 2), WCH):
            b, ss = bufs[k % 2], ssems[k % 2]
            pltpu.make_async_copy(b, out_hbm.at[pl.ds(obase, CH)], ss).wait()

    with scope("wsum"):
        write_acc(psum_hbm)

    pltpu.sync_copy(ones_hbm.at[pl.ds(wid * CH, CH)], rows0)
    plsc.subcore_barrier()

    for h in range(NHALF):
        pltpu.sync_copy(tgt3_hbm.at[pl.ds(wid * NCH + h * CPH, CPH)], tgt_v)

        def cnt_pair(jj, carry):
            j0 = jj * 2
            j1 = j0 + 1

            @pl.when(jj > 0)
            def _():
                swait(rows0, s0)

            scat(j0, rows0, s0)

            @pl.when(jj > 0)
            def _():
                swait(rows0, s1)

            scat(j1, rows0, s1)
            return carry

        with scope("p2loop"):
            lax.fori_loop(0, NPAIR, cnt_pair, 0)
            swait(rows0, s0)
            swait(rows0, s1)

    plsc.subcore_barrier()

    with scope("wcnt"):
        write_acc(pcnt_hbm)


def _tc_mlp_body(p0, p1, c0, c1, nf, w1a, w1b, b1, w2, b2, out):
    psc = p0[:, 0:1] + p1[:, 0:1]
    inv = 1.0 / jnp.maximum(c0[:, 0:1] + c1[:, 0:1] - psc, 1.0)
    agg = (p0[...] + p1[...]) * inv
    h = (
        lax.dot_general(agg, w1a[...], (((1,), (1,)), ((), ())),
                        preferred_element_type=jnp.float32)
        + lax.dot_general(nf[...], w1b[...], (((1,), (1,)), ((), ())),
                          preferred_element_type=jnp.float32)
        + b1[...]
    )
    h = jnp.maximum(h, 0.0)
    out[...] = (
        lax.dot_general(h, w2[...], (((1,), (1,)), ((), ())),
                        preferred_element_type=jnp.float32)
        + b2[...]
    )


def kernel(node_features, edge_index, W1, b1, W2, b2):
    npad_e = EPT_P - EPT
    pad_src = jnp.tile((jnp.arange(npad_e, dtype=jnp.int32) * 37) % N_NODES,
                       (NW, 1))
    pad_tgt = jnp.tile(N_NODES + (jnp.arange(npad_e, dtype=jnp.int32)
                                  % (N_PAD - N_NODES)), (NW, 1))
    src = edge_index[0].astype(jnp.int32).reshape(NW, EPT)
    src = jnp.concatenate([src, pad_src], axis=1).reshape(-1)
    tgt = edge_index[1].astype(jnp.int32).reshape(NW, EPT)
    tgt = jnp.concatenate([tgt, pad_tgt], axis=1).reshape(NW * NCH, CH)
    zrows = jnp.zeros((NW * CH, D), jnp.float32)
    ones = jnp.ones((NW * CH, D), jnp.float32)

    psum, pcnt = _sc_aggregate(src, tgt, node_features, zrows, ones)

    R = 1000
    grid = (N_NODES // R,)
    out = pl.pallas_call(
        _tc_mlp_body,
        grid=grid,
        in_specs=[
            pl.BlockSpec((R, D), lambda i: (i, 0)),
            pl.BlockSpec((R, D), lambda i: (i, 0)),
            pl.BlockSpec((R, D), lambda i: (i, 0)),
            pl.BlockSpec((R, D), lambda i: (i, 0)),
            pl.BlockSpec((R, D), lambda i: (i, 0)),
            pl.BlockSpec((HID, D), lambda i: (0, 0)),
            pl.BlockSpec((HID, D), lambda i: (0, 0)),
            pl.BlockSpec((1, HID), lambda i: (0, 0)),
            pl.BlockSpec((D, HID), lambda i: (0, 0)),
            pl.BlockSpec((1, D), lambda i: (0, 0)),
        ],
        out_specs=pl.BlockSpec((R, D), lambda i: (i, 0)),
        out_shape=jax.ShapeDtypeStruct((N_NODES, D), jnp.float32),
    )(
        psum[:N_NODES], psum[N_PAD:N_PAD + N_NODES],
        pcnt[:N_NODES], pcnt[N_PAD:N_PAD + N_NODES],
        node_features,
        W1[:, :D], W1[:, D:],
        b1.reshape(1, HID), W2, b2.reshape(1, D),
    )
    return out

# --- scband reference (transcript-rebuilt; emitter-appended) ---
"""Pipeline reference for scband-node-to-node-layer-82162724372842 (READ-ONLY COPY).

The authoritative reference and input builder live on the scoring server;
editing this copy changes nothing except your own understanding.
"""

import jax, jax.numpy as jnp
import numpy as np

N_NODES = 10000
N_EDGES = 320000
D_FEAT = 128
HIDDEN = 128
D_OUT = 128


def setup_inputs(seed: int = 0) -> dict:
    key = jax.random.key(seed)
    k1, k2, k3, k4 = jax.random.split(key, 4)
    node_features = jax.random.normal(k1, (N_NODES, D_FEAT), dtype=jnp.float32)
    edge_index = jax.random.randint(k2, (2, N_EDGES), 0, N_NODES)
    # Linear params (torch nn.Linear: weight [out, in], bias [out])
    in_dim = 2 * D_FEAT  # self_loop=True -> concat(aggregated, node_features)
    W1 = jax.random.normal(k3, (HIDDEN, in_dim), dtype=jnp.float32) * (1.0 / np.sqrt(in_dim))
    b1 = jnp.zeros((HIDDEN,), dtype=jnp.float32)
    W2 = jax.random.normal(k4, (D_OUT, HIDDEN), dtype=jnp.float32) * (1.0 / np.sqrt(HIDDEN))
    b2 = jnp.zeros((D_OUT,), dtype=jnp.float32)
    return {"node_features": node_features, "edge_index": edge_index,
            "W1": W1, "b1": b1, "W2": W2, "b2": b2}


def reference(node_features, edge_index, W1, b1, W2, b2):
    # aggregation='mean', neighbor_direction='in': receiver=tgt, sender=src
    num_nodes = node_features.shape[0]
    src = edge_index[0]
    tgt = edge_index[1]
    msgs = node_features[src]                                   # gather [E, d]
    aggregated = jax.ops.segment_sum(msgs, tgt, num_segments=num_nodes)  # scatter-add
    counts = jax.ops.segment_sum(jnp.ones((edge_index.shape[1],), dtype=node_features.dtype),
                                 tgt, num_segments=num_nodes)
    counts = jnp.clip(counts, 1.0, None)
    aggregated = aggregated / counts[:, None]
    # self_loop=True -> concat neighbor aggregate with own features
    combined = jnp.concatenate([aggregated, node_features], axis=1)
    x = combined @ W1.T + b1
    x = jax.nn.relu(x)
    # dropout=0.0 -> Identity
    x = x @ W2.T + b2
    return x

if __name__ == "__main__":
    import jax
    _d = setup_inputs()
    print(jax.jit(kernel)(*tuple(_d.values())))

</pallas_src>

<mosaic_0001>
#map = affine_map<(d0, d1) -> (0)>
#map1 = affine_map<(d0, d1) -> (0, 0)>
module attributes {stable_mosaic.version = 14 : i64} {
  func.func @_sc_aggregate(%arg0: i32, %arg1: i32, %arg2: memref<327680xi32, #tpu.memory_space<hbm>>, %arg3: memref<2560x128xi32, #tpu.memory_space<hbm>>, %arg4: memref<10000x128xf32, #tpu.memory_space<hbm>>, %arg5: memref<4096x128xf32, #tpu.memory_space<hbm>>, %arg6: memref<4096x128xf32, #tpu.memory_space<hbm>>, %arg7: memref<20480x128xf32, #tpu.memory_space<hbm>>, %arg8: memref<20480x128xf32, #tpu.memory_space<hbm>>, %arg9: memref<5120xi32, #tpu.memory_space<vmem>>, %arg10: memref<40x128xi32, #tpu.memory_space<vmem>>, %arg11: memref<128x128xf32, #tpu.memory_space<vmem>>, %arg12: memref<128x128xf32, #tpu.memory_space<vmem>>, %arg13: memref<10240x128xf32, #tpu.memory_space<vmem_shared>>, %arg14: memref<!tpu.dma_semaphore, #tpu.memory_space<semaphore_mem>>, %arg15: memref<!tpu.dma_semaphore, #tpu.memory_space<semaphore_mem>>, %arg16: memref<!tpu.dma_semaphore, #tpu.memory_space<semaphore_mem>>, %arg17: memref<!tpu.dma_semaphore, #tpu.memory_space<semaphore_mem>>) attributes {dimension_semantics = [#tpu.dimension_semantics<core_parallel>, #tpu.dimension_semantics<subcore_parallel>], iteration_bounds = array<i64: 2, 16>, scalar_prefetch = 0 : i64, scratch_operands = 9 : i64, tpu.core_type = #tpu.core_type<sc_vector_subcore>, window_params = [{transform_indices = #map}, {transform_indices = #map1}, {transform_indices = #map1}, {transform_indices = #map1}, {transform_indices = #map1}, {transform_indices = #map1}, {transform_indices = #map1}]} {
    %mul3A = arith.constant 16 : i32
    %mul3A_0 = arith.muli %arg0, %mul3A : i32
    %add3A = arith.addi %mul3A_0, %arg1 : i32
    %mul3A_1 = arith.constant 640 : i32
    %mul3A_2 = arith.muli %arg1, %mul3A_1 : i32
    %mul3A_3 = arith.constant 10240 : i32
    %mul3A_4 = arith.muli %arg0, %mul3A_3 : i32
    %add3A_5 = arith.addi %mul3A_4, %mul3A_2 : i32
    "tpu.trace_start"() <{level = 10 : i32, message = "z1"}> : () -> ()
    %mul3A_6 = arith.constant 128 : i32
    %mul3A_7 = arith.muli %add3A, %mul3A_6 : i32
    "tpu.region"() ({
      %run_scoped3A = tpu.sem_alloc : memref<!tpu.dma_semaphore, #tpu.memory_space<semaphore_mem>>
      %dma_start3A_460 = arith.constant 0 : i32
      %dma_start3A_461 = tpu.memref_slice %arg5[%mul3A_7, %dma_start3A_460] : memref<4096x128xf32, #tpu.memory_space<hbm>> -> memref<128x128xf32, #tpu.memory_space<hbm>>
      %dma_start3A_462 = arith.constant 0 : i32
      %dma_start3A_463 = tpu.memref_slice %arg5[%mul3A_7, %dma_start3A_462] : memref<4096x128xf32, #tpu.memory_space<hbm>> -> memref<128x128xf32, #tpu.memory_space<hbm>>
      tpu.enqueue_dma source(%dma_start3A_463 : memref<128x128xf32, #tpu.memory_space<hbm>>) target(%arg11 : memref<128x128xf32, #tpu.memory_space<vmem>>) target_semaphore(%run_scoped3A : memref<!tpu.dma_semaphore, #tpu.memory_space<semaphore_mem>>)
      %dma_wait3A_464 = arith.constant 0 : i32
      %dma_wait3A_465 = tpu.memref_slice %arg5[%mul3A_7, %dma_wait3A_464] : memref<4096x128xf32, #tpu.memory_space<hbm>> -> memref<128x128xf32, #tpu.memory_space<hbm>>
      %dma_wait3A_466 = arith.constant 0 : i32
      %dma_wait3A_467 = tpu.memref_slice %arg5[%mul3A_7, %dma_wait3A_466] : memref<4096x128xf32, #tpu.memory_space<hbm>> -> memref<128x128xf32, #tpu.memory_space<hbm>>
      tpu.wait_dma2 semaphore(%run_scoped3A : memref<!tpu.dma_semaphore, #tpu.memory_space<semaphore_mem>>) src(%dma_wait3A_467 : memref<128x128xf32, #tpu.memory_space<hbm>>) dst(%arg11 : memref<128x128xf32, #tpu.memory_space<vmem>>)
      tpu.yield
    }) : () -> ()
    "tpu.trace_stop"() : () -> ()
    "tpu.trace_start"() <{level = 10 : i32, message = "z1b"}> : () -> ()
    %add3A_8 = arith.constant 0 : i32
    %add3A_9 = arith.addi %mul3A_2, %add3A_8 : i32
    %multiple_of3A = tpu.assume_multiple %add3A_9, 8 : i32
    %dma_start3A = arith.constant 0 : i32
    %dma_start3A_10 = tpu.memref_slice %arg13[%multiple_of3A, %dma_start3A] : memref<10240x128xf32, #tpu.memory_space<vmem_shared>> -> memref<128x128xf32, #tpu.memory_space<vmem_shared>>
    %dma_start3A_11 = arith.constant 0 : i32
    %dma_start3A_12 = tpu.memref_slice %arg13[%multiple_of3A, %dma_start3A_11] : memref<10240x128xf32, #tpu.memory_space<vmem_shared>> -> memref<128x128xf32, #tpu.memory_space<vmem_shared>>
    tpu.enqueue_dma source(%arg11 : memref<128x128xf32, #tpu.memory_space<vmem>>) target(%dma_start3A_12 : memref<128x128xf32, #tpu.memory_space<vmem_shared>>) target_semaphore(%arg16 : memref<!tpu.dma_semaphore, #tpu.memory_space<semaphore_mem>>)
    %add3A_13 = arith.constant 128 : i32
    %add3A_14 = arith.addi %mul3A_2, %add3A_13 : i32
    %multiple_of3A_15 = tpu.assume_multiple %add3A_14, 8 : i32
    %dma_start3A_16 = arith.constant 0 : i32
    %dma_start3A_17 = tpu.memref_slice %arg13[%multiple_of3A_15, %dma_start3A_16] : memref<10240x128xf32, #tpu.memory_space<vmem_shared>> -> memref<128x128xf32, #tpu.memory_space<vmem_shared>>
    %dma_start3A_18 = arith.constant 0 : i32
    %dma_start3A_19 = tpu.memref_slice %arg13[%multiple_of3A_15, %dma_start3A_18] : memref<10240x128xf32, #tpu.memory_space<vmem_shared>> -> memref<128x128xf32, #tpu.memory_space<vmem_shared>>
    tpu.enqueue_dma source(%arg11 : memref<128x128xf32, #tpu.memory_space<vmem>>) target(%dma_start3A_19 : memref<128x128xf32, #tpu.memory_space<vmem_shared>>) target_semaphore(%arg16 : memref<!tpu.dma_semaphore, #tpu.memory_space<semaphore_mem>>)
    %add3A_20 = arith.constant 256 : i32
    %add3A_21 = arith.addi %mul3A_2, %add3A_20 : i32
    %multiple_of3A_22 = tpu.assume_multiple %add3A_21, 8 : i32
    %dma_start3A_23 = arith.constant 0 : i32
    %dma_start3A_24 = tpu.memref_slice %arg13[%multiple_of3A_22, %dma_start3A_23] : memref<10240x128xf32, #tpu.memory_space<vmem_shared>> -> memref<128x128xf32, #tpu.memory_space<vmem_shared>>
    %dma_start3A_25 = arith.constant 0 : i32
    %dma_start3A_26 = tpu.memref_slice %arg13[%multiple_of3A_22, %dma_start3A_25] : memref<10240x128xf32, #tpu.memory_space<vmem_shared>> -> memref<128x128xf32, #tpu.memory_space<vmem_shared>>
    tpu.enqueue_dma source(%arg11 : memref<128x128xf32, #tpu.memory_space<vmem>>) target(%dma_start3A_26 : memref<128x128xf32, #tpu.memory_space<vmem_shared>>) target_semaphore(%arg16 : memref<!tpu.dma_semaphore, #tpu.memory_space<semaphore_mem>>)
    %add3A_27 = arith.constant 384 : i32
    %add3A_28 = arith.addi %mul3A_2, %add3A_27 : i32
    %multiple_of3A_29 = tpu.assume_multiple %add3A_28, 8 : i32
    %dma_start3A_30 = arith.constant 0 : i32
    %dma_start3A_31 = tpu.memref_slice %arg13[%multiple_of3A_29, %dma_start3A_30] : memref<10240x128xf32, #tpu.memory_space<vmem_shared>> -> memref<128x128xf32, #tpu.memory_space<vmem_shared>>
    %dma_start3A_32 = arith.constant 0 : i32
    %dma_start3A_33 = tpu.memref_slice %arg13[%multiple_of3A_29, %dma_start3A_32] : memref<10240x128xf32, #tpu.memory_space<vmem_shared>> -> memref<128x128xf32, #tpu.memory_space<vmem_shared>>
    tpu.enqueue_dma source(%arg11 : memref<128x128xf32, #tpu.memory_space<vmem>>) target(%dma_start3A_33 : memref<128x128xf32, #tpu.memory_space<vmem_shared>>) target_semaphore(%arg16 : memref<!tpu.dma_semaphore, #tpu.memory_space<semaphore_mem>>)
    %add3A_34 = arith.constant 512 : i32
    %add3A_35 = arith.addi %mul3A_2, %add3A_34 : i32
    %multiple_of3A_36 = tpu.assume_multiple %add3A_35, 8 : i32
    %dma_start3A_37 = arith.constant 0 : i32
    %dma_start3A_38 = tpu.memref_slice %arg13[%multiple_of3A_36, %dma_start3A_37] : memref<10240x128xf32, #tpu.memory_space<vmem_shared>> -> memref<128x128xf32, #tpu.memory_space<vmem_shared>>
    %dma_start3A_39 = arith.constant 0 : i32
    %dma_start3A_40 = tpu.memref_slice %arg13[%multiple_of3A_36, %dma_start3A_39] : memref<10240x128xf32, #tpu.memory_space<vmem_shared>> -> memref<128x128xf32, #tpu.memory_space<vmem_shared>>
    tpu.enqueue_dma source(%arg11 : memref<128x128xf32, #tpu.memory_space<vmem>>) target(%dma_start3A_40 : memref<128x128xf32, #tpu.memory_space<vmem_shared>>) target_semaphore(%arg16 : memref<!tpu.dma_semaphore, #tpu.memory_space<semaphore_mem>>)
    %dma_wait3A = arith.constant 0 : i32
    %dma_wait3A_41 = tpu.memref_slice %arg13[%mul3A_2, %dma_wait3A] : memref<10240x128xf32, #tpu.memory_space<vmem_shared>> -> memref<128x128xf32, #tpu.memory_space<vmem_shared>>
    %dma_wait3A_42 = arith.constant 0 : i32
    %dma_wait3A_43 = tpu.memref_slice %arg13[%mul3A_2, %dma_wait3A_42] : memref<10240x128xf32, #tpu.memory_space<vmem_shared>> -> memref<128x128xf32, #tpu.memory_space<vmem_shared>>
    tpu.wait_dma2 semaphore(%arg16 : memref<!tpu.dma_semaphore, #tpu.memory_space<semaphore_mem>>) src(%arg11 : memref<128x128xf32, #tpu.memory_space<vmem>>) dst(%dma_wait3A_43 : memref<128x128xf32, #tpu.memory_space<vmem_shared>>)
    %dma_wait3A_44 = arith.constant 0 : i32
    %dma_wait3A_45 = tpu.memref_slice %arg13[%mul3A_2, %dma_wait3A_44] : memref<10240x128xf32, #tpu.memory_space<vmem_shared>> -> memref<128x128xf32, #tpu.memory_space<vmem_shared>>
    %dma_wait3A_46 = arith.constant 0 : i32
    %dma_wait3A_47 = tpu.memref_slice %arg13[%mul3A_2, %dma_wait3A_46] : memref<10240x128xf32, #tpu.memory_space<vmem_shared>> -> memref<128x128xf32, #tpu.memory_space<vmem_shared>>
    tpu.wait_dma2 semaphore(%arg16 : memref<!tpu.dma_semaphore, #tpu.memory_space<semaphore_mem>>) src(%arg11 : memref<128x128xf32, #tpu.memory_space<vmem>>) dst(%dma_wait3A_47 : memref<128x128xf32, #tpu.memory_space<vmem_shared>>)
    %dma_wait3A_48 = arith.constant 0 : i32
    %dma_wait3A_49 = tpu.memref_slice %arg13[%mul3A_2, %dma_wait3A_48] : memref<10240x128xf32, #tpu.memory_space<vmem_shared>> -> memref<128x128xf32, #tpu.memory_space<vmem_shared>>
    %dma_wait3A_50 = arith.constant 0 : i32
    %dma_wait3A_51 = tpu.memref_slice %arg13[%mul3A_2, %dma_wait3A_50] : memref<10240x128xf32, #tpu.memory_space<vmem_shared>> -> memref<128x128xf32, #tpu.memory_space<vmem_shared>>
    tpu.wait_dma2 semaphore(%arg16 : memref<!tpu.dma_semaphore, #tpu.memory_space<semaphore_mem>>) src(%arg11 : memref<128x128xf32, #tpu.memory_space<vmem>>) dst(%dma_wait3A_51 : memref<128x128xf32, #tpu.memory_space<vmem_shared>>)
    %dma_wait3A_52 = arith.constant 0 : i32
    %dma_wait3A_53 = tpu.memref_slice %arg13[%mul3A_2, %dma_wait3A_52] : memref<10240x128xf32, #tpu.memory_space<vmem_shared>> -> memref<128x128xf32, #tpu.memory_space<vmem_shared>>
    %dma_wait3A_54 = arith.constant 0 : i32
    %dma_wait3A_55 = tpu.memref_slice %arg13[%mul3A_2, %dma_wait3A_54] : memref<10240x128xf32, #tpu.memory_space<vmem_shared>> -> memref<128x128xf32, #tpu.memory_space<vmem_shared>>
    tpu.wait_dma2 semaphore(%arg16 : memref<!tpu.dma_semaphore, #tpu.memory_space<semaphore_mem>>) src(%arg11 : memref<128x128xf32, #tpu.memory_space<vmem>>) dst(%dma_wait3A_55 : memref<128x128xf32, #tpu.memory_space<vmem_shared>>)
    %dma_wait3A_56 = arith.constant 0 : i32
    %dma_wait3A_57 = tpu.memref_slice %arg13[%mul3A_2, %dma_wait3A_56] : memref<10240x128xf32, #tpu.memory_space<vmem_shared>> -> memref<128x128xf32, #tpu.memory_space<vmem_shared>>
    %dma_wait3A_58 = arith.constant 0 : i32
    %dma_wait3A_59 = tpu.memref_slice %arg13[%mul3A_2, %dma_wait3A_58] : memref<10240x128xf32, #tpu.memory_space<vmem_shared>> -> memref<128x128xf32, #tpu.memory_space<vmem_shared>>
    tpu.wait_dma2 semaphore(%arg16 : memref<!tpu.dma_semaphore, #tpu.memory_space<semaphore_mem>>) src(%arg11 : memref<128x128xf32, #tpu.memory_space<vmem>>) dst(%dma_wait3A_59 : memref<128x128xf32, #tpu.memory_space<vmem_shared>>)
    "tpu.trace_stop"() : () -> ()
    %barrier3A = arith.constant 0 : index
    tpu.barrier barrier_id(%barrier3A)
    %mul3A_60 = arith.constant 10240 : i32
    %mul3A_61 = arith.muli %add3A, %mul3A_60 : i32
    %add3A_62 = arith.constant 0 : i32
    %add3A_63 = arith.addi %mul3A_61, %add3A_62 : i32
    "tpu.region"() ({
      %run_scoped3A = tpu.sem_alloc : memref<!tpu.dma_semaphore, #tpu.memory_space<semaphore_mem>>
      %dma_start3A_460 = tpu.memref_slice %arg2[%add3A_63] : memref<327680xi32, #tpu.memory_space<hbm>> -> memref<5120xi32, #tpu.memory_space<hbm>>
      %dma_start3A_461 = tpu.memref_slice %arg2[%add3A_63] : memref<327680xi32, #tpu.memory_space<hbm>> -> memref<5120xi32, #tpu.memory_space<hbm>>
      tpu.enqueue_dma source(%dma_start3A_461 : memref<5120xi32, #tpu.memory_space<hbm>>) target(%arg9 : memref<5120xi32, #tpu.memory_space<vmem>>) target_semaphore(%run_scoped3A : memref<!tpu.dma_semaphore, #tpu.memory_space<semaphore_mem>>)
      %dma_wait3A_462 = tpu.memref_slice %arg2[%add3A_63] : memref<327680xi32, #tpu.memory_space<hbm>> -> memref<5120xi32, #tpu.memory_space<hbm>>
      %dma_wait3A_463 = tpu.memref_slice %arg2[%add3A_63] : memref<327680xi32, #tpu.memory_space<hbm>> -> memref<5120xi32, #tpu.memory_space<hbm>>
      tpu.wait_dma2 semaphore(%run_scoped3A : memref<!tpu.dma_semaphore, #tpu.memory_space<semaphore_mem>>) src(%dma_wait3A_463 : memref<5120xi32, #tpu.memory_space<hbm>>) dst(%arg9 : memref<5120xi32, #tpu.memory_space<vmem>>)
      tpu.yield
    }) : () -> ()
    %mul3A_64 = arith.constant 80 : i32
    %mul3A_65 = arith.muli %add3A, %mul3A_64 : i32
    %add3A_66 = arith.constant 0 : i32
    %add3A_67 = arith.addi %mul3A_65, %add3A_66 : i32
    "tpu.region"() ({
      %run_scoped3A = tpu.sem_alloc : memref<!tpu.dma_semaphore, #tpu.memory_space<semaphore_mem>>
      %dma_start3A_460 = arith.constant 0 : i32
      %dma_start3A_461 = tpu.memref_slice %arg3[%add3A_67, %dma_start3A_460] : memref<2560x128xi32, #tpu.memory_space<hbm>> -> memref<40x128xi32, #tpu.memory_space<hbm>>
      %dma_start3A_462 = arith.constant 0 : i32
      %dma_start3A_463 = tpu.memref_slice %arg3[%add3A_67, %dma_start3A_462] : memref<2560x128xi32, #tpu.memory_space<hbm>> -> memref<40x128xi32, #tpu.memory_space<hbm>>
      tpu.enqueue_dma source(%dma_start3A_463 : memref<40x128xi32, #tpu.memory_space<hbm>>) target(%arg10 : memref<40x128xi32, #tpu.memory_space<vmem>>) target_semaphore(%run_scoped3A : memref<!tpu.dma_semaphore, #tpu.memory_space<semaphore_mem>>)
      %dma_wait3A_464 = arith.constant 0 : i32
      %dma_wait3A_465 = tpu.memref_slice %arg3[%add3A_67, %dma_wait3A_464] : memref<2560x128xi32, #tpu.memory_space<hbm>> -> memref<40x128xi32, #tpu.memory_space<hbm>>
      %dma_wait3A_466 = arith.constant 0 : i32
      %dma_wait3A_467 = tpu.memref_slice %arg3[%add3A_67, %dma_wait3A_466] : memref<2560x128xi32, #tpu.memory_space<hbm>> -> memref<40x128xi32, #tpu.memory_space<hbm>>
      tpu.wait_dma2 semaphore(%run_scoped3A : memref<!tpu.dma_semaphore, #tpu.memory_space<semaphore_mem>>) src(%dma_wait3A_467 : memref<40x128xi32, #tpu.memory_space<hbm>>) dst(%arg10 : memref<40x128xi32, #tpu.memory_space<vmem>>)
      tpu.yield
    }) : () -> ()
    %multiple_of3A_68 = arith.constant 0 : i32
    %multiple_of3A_69 = tpu.assume_multiple %multiple_of3A_68, 8 : i32
    %multiple_of3A_70 = arith.constant 64 : i32
    %multiple_of3A_71 = tpu.assume_multiple %multiple_of3A_70, 8 : i32
    %dma_start3A_72 = arith.constant 0 : i32
    %dma_start3A_73 = arith.constant 0 : i32
    %dma_start3A_74 = tpu.memref_slice %arg11[%dma_start3A_72, %dma_start3A_73] : memref<128x128xf32, #tpu.memory_space<vmem>> -> memref<64x128xf32, #tpu.memory_space<vmem>>
    %dma_start3A_75 = tpu.memref_slice %arg9[%multiple_of3A_69] : memref<5120xi32, #tpu.memory_space<vmem>> -> memref<64xi32, #tpu.memory_space<vmem>>
    %dma_start3A_76 = arith.constant 0 : i32
    %dma_start3A_77 = arith.constant 0 : i32
    %dma_start3A_78 = tpu.memref_slice %arg4[%dma_start3A_76, %dma_start3A_77] : memref<10000x128xf32, #tpu.memory_space<hbm>> -> memref<10000x128xf32, #tpu.memory_space<hbm>>
    tpu.enqueue_indirect_dma source(%dma_start3A_78 : memref<10000x128xf32, #tpu.memory_space<hbm>>) target(%dma_start3A_74 : memref<64x128xf32, #tpu.memory_space<vmem>>) offsets(%dma_start3A_75 : memref<64xi32, #tpu.memory_space<vmem>>) semaphore(%arg14 : memref<!tpu.dma_semaphore, #tpu.memory_space<semaphore_mem>>)
    %dma_start3A_79 = arith.constant 64 : i32
    %dma_start3A_80 = arith.constant 0 : i32
    %dma_start3A_81 = tpu.memref_slice %arg11[%dma_start3A_79, %dma_start3A_80] : memref<128x128xf32, #tpu.memory_space<vmem>> -> memref<64x128xf32, #tpu.memory_space<vmem>>
    %dma_start3A_82 = tpu.memref_slice %arg9[%multiple_of3A_71] : memref<5120xi32, #tpu.memory_space<vmem>> -> memref<64xi32, #tpu.memory_space<vmem>>
    %dma_start3A_83 = arith.constant 0 : i32
    %dma_start3A_84 = arith.constant 0 : i32
    %dma_start3A_85 = tpu.memref_slice %arg4[%dma_start3A_83, %dma_start3A_84] : memref<10000x128xf32, #tpu.memory_space<hbm>> -> memref<10000x128xf32, #tpu.memory_space<hbm>>
    tpu.enqueue_indirect_dma source(%dma_start3A_85 : memref<10000x128xf32, #tpu.memory_space<hbm>>) target(%dma_start3A_81 : memref<64x128xf32, #tpu.memory_space<vmem>>) offsets(%dma_start3A_82 : memref<64xi32, #tpu.memory_space<vmem>>) semaphore(%arg14 : memref<!tpu.dma_semaphore, #tpu.memory_space<semaphore_mem>>)
    %multiple_of3A_86 = arith.constant 128 : i32
    %multiple_of3A_87 = tpu.assume_multiple %multiple_of3A_86, 8 : i32
    %multiple_of3A_88 = arith.constant 192 : i32
    %multiple_of3A_89 = tpu.assume_multiple %multiple_of3A_88, 8 : i32
    %dma_start3A_90 = arith.constant 0 : i32
    %dma_start3A_91 = arith.constant 0 : i32
    %dma_start3A_92 = tpu.memref_slice %arg12[%dma_start3A_90, %dma_start3A_91] : memref<128x128xf32, #tpu.memory_space<vmem>> -> memref<64x128xf32, #tpu.memory_space<vmem>>
    %dma_start3A_93 = tpu.memref_slice %arg9[%multiple_of3A_87] : memref<5120xi32, #tpu.memory_space<vmem>> -> memref<64xi32, #tpu.memory_space<vmem>>
    %dma_start3A_94 = arith.constant 0 : i32
    %dma_start3A_95 = arith.constant 0 : i32
    %dma_start3A_96 = tpu.memref_slice %arg4[%dma_start3A_94, %dma_start3A_95] : memref<10000x128xf32, #tpu.memory_space<hbm>> -> memref<10000x128xf32, #tpu.memory_space<hbm>>
    tpu.enqueue_indirect_dma source(%dma_start3A_96 : memref<10000x128xf32, #tpu.memory_space<hbm>>) target(%dma_start3A_92 : memref<64x128xf32, #tpu.memory_space<vmem>>) offsets(%dma_start3A_93 : memref<64xi32, #tpu.memory_space<vmem>>) semaphore(%arg15 : memref<!tpu.dma_semaphore, #tpu.memory_space<semaphore_mem>>)
    %dma_start3A_97 = arith.constant 64 : i32
    %dma_start3A_98 = arith.constant 0 : i32
    %dma_start3A_99 = tpu.memref_slice %arg12[%dma_start3A_97, %dma_start3A_98] : memref<128x128xf32, #tpu.memory_space<vmem>> -> memref<64x128xf32, #tpu.memory_space<vmem>>
    %dma_start3A_100 = tpu.memref_slice %arg9[%multiple_of3A_89] : memref<5120xi32, #tpu.memory_space<vmem>> -> memref<64xi32, #tpu.memory_space<vmem>>
    %dma_start3A_101 = arith.constant 0 : i32
    %dma_start3A_102 = arith.constant 0 : i32
    %dma_start3A_103 = tpu.memref_slice %arg4[%dma_start3A_101, %dma_start3A_102] : memref<10000x128xf32, #tpu.memory_space<hbm>> -> memref<10000x128xf32, #tpu.memory_space<hbm>>
    tpu.enqueue_indirect_dma source(%dma_start3A_103 : memref<10000x128xf32, #tpu.memory_space<hbm>>) target(%dma_start3A_99 : memref<64x128xf32, #tpu.memory_space<vmem>>) offsets(%dma_start3A_100 : memref<64xi32, #tpu.memory_space<vmem>>) semaphore(%arg15 : memref<!tpu.dma_semaphore, #tpu.memory_space<semaphore_mem>>)
    "tpu.trace_start"() <{level = 10 : i32, message = "p1loop"}> : () -> ()
    %scan3A = arith.constant 0 : i32
    %scan3A_104 = arith.constant 0 : i32
    %scan3A_105 = arith.constant 20 : i32
    %scan3A_106 = arith.addi %scan3A_104, %scan3A_105 : i32
    %scan3A_107 = arith.constant 1 : i32
    scf.for %scan3A_460 = %scan3A_104 to %scan3A_106 step %scan3A_107  : i32 {
      %mul3A_461 = arith.constant 2 : i32
      %mul3A_462 = arith.muli %scan3A_460, %mul3A_461 : i32
      %add3A_463 = arith.constant 1 : i32
      %add3A_464 = arith.addi %mul3A_462, %add3A_463 : i32
      %dma_wait3A_465 = arith.constant 0 : i32
      %dma_wait3A_466 = arith.constant 0 : i32
      %dma_wait3A_467 = tpu.memref_slice %arg11[%dma_wait3A_465, %dma_wait3A_466] : memref<128x128xf32, #tpu.memory_space<vmem>> -> memref<64x128xf32, #tpu.memory_space<vmem>>
      %dma_wait3A_468 = arith.constant 0 : i32
      %dma_wait3A_469 = tpu.memref_slice %arg9[%dma_wait3A_468] : memref<5120xi32, #tpu.memory_space<vmem>> -> memref<64xi32, #tpu.memory_space<vmem>>
      %dma_wait3A_470 = arith.constant 0 : i32
      %dma_wait3A_471 = arith.constant 0 : i32
      %dma_wait3A_472 = tpu.memref_slice %arg4[%dma_wait3A_470, %dma_wait3A_471] : memref<10000x128xf32, #tpu.memory_space<hbm>> -> memref<10000x128xf32, #tpu.memory_space<hbm>>
      tpu.wait_indirect_dma semaphore(%arg14 : memref<!tpu.dma_semaphore, #tpu.memory_space<semaphore_mem>>) src(%dma_wait3A_472 : memref<10000x128xf32, #tpu.memory_space<hbm>>) dst(%dma_wait3A_467 : memref<64x128xf32, #tpu.memory_space<vmem>>)
      %dma_wait3A_473 = arith.constant 64 : i32
      %dma_wait3A_474 = arith.constant 0 : i32
      %dma_wait3A_475 = tpu.memref_slice %arg11[%dma_wait3A_473, %dma_wait3A_474] : memref<128x128xf32, #tpu.memory_space<vmem>> -> memref<64x128xf32, #tpu.memory_space<vmem>>
      %dma_wait3A_476 = arith.constant 0 : i32
      %dma_wait3A_477 = tpu.memref_slice %arg9[%dma_wait3A_476] : memref<5120xi32, #tpu.memory_space<vmem>> -> memref<64xi32, #tpu.memory_space<vmem>>
      %dma_wait3A_478 = arith.constant 0 : i32
      %dma_wait3A_479 = arith.constant 0 : i32
      %dma_wait3A_480 = tpu.memref_slice %arg4[%dma_wait3A_478, %dma_wait3A_479] : memref<10000x128xf32, #tpu.memory_space<hbm>> -> memref<10000x128xf32, #tpu.memory_space<hbm>>
      tpu.wait_indirect_dma semaphore(%arg14 : memref<!tpu.dma_semaphore, #tpu.memory_space<semaphore_mem>>) src(%dma_wait3A_480 : memref<10000x128xf32, #tpu.memory_space<hbm>>) dst(%dma_wait3A_475 : memref<64x128xf32, #tpu.memory_space<vmem>>)
      %dma_start3A_481 = arith.constant 0 : i32
      %dma_start3A_482 = tpu.memref_slice %arg10[%mul3A_462, %dma_start3A_481] : memref<40x128xi32, #tpu.memory_space<vmem>> -> memref<1x128xi32, #tpu.memory_space<vmem>>
      %dma_start3A_483 = tpu.memref_squeeze %dma_start3A_482 : memref<1x128xi32, #tpu.memory_space<vmem>> -> memref<128xi32, #tpu.memory_space<vmem>>
      %dma_start3A_484 = arith.constant 0 : i32
      %dma_start3A_485 = arith.constant 0 : i32
      %dma_start3A_486 = tpu.memref_slice %arg13[%dma_start3A_484, %dma_start3A_485] : memref<10240x128xf32, #tpu.memory_space<vmem_shared>> -> memref<10240x128xf32, #tpu.memory_space<vmem_shared>>
      tpu.enqueue_indirect_dma source(%arg11 : memref<128x128xf32, #tpu.memory_space<vmem>>) target(%dma_start3A_486 : memref<10240x128xf32, #tpu.memory_space<vmem_shared>>) offsets(%dma_start3A_483 : memref<128xi32, #tpu.memory_space<vmem>>) semaphore(%arg16 : memref<!tpu.dma_semaphore, #tpu.memory_space<semaphore_mem>>) {add = true}
      %dma_wait3A_487 = arith.constant 0 : i32
      %dma_wait3A_488 = arith.constant 0 : i32
      %dma_wait3A_489 = tpu.memref_slice %arg12[%dma_wait3A_487, %dma_wait3A_488] : memref<128x128xf32, #tpu.memory_space<vmem>> -> memref<64x128xf32, #tpu.memory_space<vmem>>
      %dma_wait3A_490 = arith.constant 0 : i32
      %dma_wait3A_491 = tpu.memref_slice %arg9[%dma_wait3A_490] : memref<5120xi32, #tpu.memory_space<vmem>> -> memref<64xi32, #tpu.memory_space<vmem>>
      %dma_wait3A_492 = arith.constant 0 : i32
      %dma_wait3A_493 = arith.constant 0 : i32
      %dma_wait3A_494 = tpu.memref_slice %arg4[%dma_wait3A_492, %dma_wait3A_493] : memref<10000x128xf32, #tpu.memory_space<hbm>> -> memref<10000x128xf32, #tpu.memory_space<hbm>>
      tpu.wait_indirect_dma semaphore(%arg15 : memref<!tpu.dma_semaphore, #tpu.memory_space<semaphore_mem>>) src(%dma_wait3A_494 : memref<10000x128xf32, #tpu.memory_space<hbm>>) dst(%dma_wait3A_489 : memref<64x128xf32, #tpu.memory_space<vmem>>)
      %dma_wait3A_495 = arith.constant 64 : i32
      %dma_wait3A_496 = arith.constant 0 : i32
      %dma_wait3A_497 = tpu.memref_slice %arg12[%dma_wait3A_495, %dma_wait3A_496] : memref<128x128xf32, #tpu.memory_space<vmem>> -> memref<64x128xf32, #tpu.memory_space<vmem>>
      %dma_wait3A_498 = arith.constant 0 : i32
      %dma_wait3A_499 = tpu.memref_slice %arg9[%dma_wait3A_498] : memref<5120xi32, #tpu.memory_space<vmem>> -> memref<64xi32, #tpu.memory_space<vmem>>
      %dma_wait3A_500 = arith.constant 0 : i32
      %dma_wait3A_501 = arith.constant 0 : i32
      %dma_wait3A_502 = tpu.memref_slice %arg4[%dma_wait3A_500, %dma_wait3A_501] : memref<10000x128xf32, #tpu.memory_space<hbm>> -> memref<10000x128xf32, #tpu.memory_space<hbm>>
      tpu.wait_indirect_dma semaphore(%arg15 : memref<!tpu.dma_semaphore, #tpu.memory_space<semaphore_mem>>) src(%dma_wait3A_502 : memref<10000x128xf32, #tpu.memory_space<hbm>>) dst(%dma_wait3A_497 : memref<64x128xf32, #tpu.memory_space<vmem>>)
      %dma_start3A_503 = arith.constant 0 : i32
      %dma_start3A_504 = tpu.memref_slice %arg10[%add3A_464, %dma_start3A_503] : memref<40x128xi32, #tpu.memory_space<vmem>> -> memref<1x128xi32, #tpu.memory_space<vmem>>
      %dma_start3A_505 = tpu.memref_squeeze %dma_start3A_504 : memref<1x128xi32, #tpu.memory_space<vmem>> -> memref<128xi32, #tpu.memory_space<vmem>>
      %dma_start3A_506 = arith.constant 0 : i32
      %dma_start3A_507 = arith.constant 0 : i32
      %dma_start3A_508 = tpu.memref_slice %arg13[%dma_start3A_506, %dma_start3A_507] : memref<10240x128xf32, #tpu.memory_space<vmem_shared>> -> memref<10240x128xf32, #tpu.memory_space<vmem_shared>>
      tpu.enqueue_indirect_dma source(%arg12 : memref<128x128xf32, #tpu.memory_space<vmem>>) target(%dma_start3A_508 : memref<10240x128xf32, #tpu.memory_space<vmem_shared>>) offsets(%dma_start3A_505 : memref<128xi32, #tpu.memory_space<vmem>>) semaphore(%arg17 : memref<!tpu.dma_semaphore, #tpu.memory_space<semaphore_mem>>) {add = true}
      %lt3A = arith.constant 19 : i32
      %lt3A_509 = arith.cmpi slt, %scan3A_460, %lt3A : i32
      %convert_element_type3A = arith.extui %lt3A_509 : i1 to i32
      %cond3A = arith.constant 0 : i32
      %cond3A_510 = arith.cmpi ne, %convert_element_type3A, %cond3A : i32
      scf.if %cond3A_510 {
        %dma_wait3A_511 = arith.constant 0 : i32
        %dma_wait3A_512 = arith.constant 0 : i32
        %dma_wait3A_513 = tpu.memref_slice %arg10[%dma_wait3A_511, %dma_wait3A_512] : memref<40x128xi32, #tpu.memory_space<vmem>> -> memref<1x128xi32, #tpu.memory_space<vmem>>
        %dma_wait3A_514 = tpu.memref_squeeze %dma_wait3A_513 : memref<1x128xi32, #tpu.memory_space<vmem>> -> memref<128xi32, #tpu.memory_space<vmem>>
        %dma_wait3A_515 = arith.constant 0 : i32
        %dma_wait3A_516 = arith.constant 0 : i32
        %dma_wait3A_517 = tpu.memref_slice %arg13[%dma_wait3A_515, %dma_wait3A_516] : memref<10240x128xf32, #tpu.memory_space<vmem_shared>> -> memref<10240x128xf32, #tpu.memory_space<vmem_shared>>
        tpu.wait_indirect_dma semaphore(%arg16 : memref<!tpu.dma_semaphore, #tpu.memory_space<semaphore_mem>>) src(%arg11 : memref<128x128xf32, #tpu.memory_space<vmem>>) dst(%dma_wait3A_517 : memref<10240x128xf32, #tpu.memory_space<vmem_shared>>)
        %add3A_518 = arith.constant 2 : i32
        %add3A_519 = arith.addi %mul3A_462, %add3A_518 : i32
        %mul3A_520 = arith.constant 128 : i32
        %mul3A_521 = arith.muli %add3A_519, %mul3A_520 : i32
        %multiple_of3A_522 = tpu.assume_multiple %mul3A_521, 8 : i32
        %mul3A_523 = arith.constant 128 : i32
        %mul3A_524 = arith.muli %add3A_519, %mul3A_523 : i32
        %add3A_525 = arith.constant 64 : i32
        %add3A_526 = arith.addi %mul3A_524, %add3A_525 : i32
        %multiple_of3A_527 = tpu.assume_multiple %add3A_526, 8 : i32
        %dma_start3A_528 = arith.constant 0 : i32
        %dma_start3A_529 = arith.constant 0 : i32
        %dma_start3A_530 = tpu.memref_slice %arg11[%dma_start3A_528, %dma_start3A_529] : memref<128x128xf32, #tpu.memory_space<vmem>> -> memref<64x128xf32, #tpu.memory_space<vmem>>
        %dma_start3A_531 = tpu.memref_slice %arg9[%multiple_of3A_522] : memref<5120xi32, #tpu.memory_space<vmem>> -> memref<64xi32, #tpu.memory_space<vmem>>
        %dma_start3A_532 = arith.constant 0 : i32
        %dma_start3A_533 = arith.constant 0 : i32
        %dma_start3A_534 = tpu.memref_slice %arg4[%dma_start3A_532, %dma_start3A_533] : memref<10000x128xf32, #tpu.memory_space<hbm>> -> memref<10000x128xf32, #tpu.memory_space<hbm>>
        tpu.enqueue_indirect_dma source(%dma_start3A_534 : memref<10000x128xf32, #tpu.memory_space<hbm>>) target(%dma_start3A_530 : memref<64x128xf32, #tpu.memory_space<vmem>>) offsets(%dma_start3A_531 : memref<64xi32, #tpu.memory_space<vmem>>) semaphore(%arg14 : memref<!tpu.dma_semaphore, #tpu.memory_space<semaphore_mem>>)
        %dma_start3A_535 = arith.constant 64 : i32
        %dma_start3A_536 = arith.constant 0 : i32
        %dma_start3A_537 = tpu.memref_slice %arg11[%dma_start3A_535, %dma_start3A_536] : memref<128x128xf32, #tpu.memory_space<vmem>> -> memref<64x128xf32, #tpu.memory_space<vmem>>
        %dma_start3A_538 = tpu.memref_slice %arg9[%multiple_of3A_527] : memref<5120xi32, #tpu.memory_space<vmem>> -> memref<64xi32, #tpu.memory_space<vmem>>
        %dma_start3A_539 = arith.constant 0 : i32
        %dma_start3A_540 = arith.constant 0 : i32
        %dma_start3A_541 = tpu.memref_slice %arg4[%dma_start3A_539, %dma_start3A_540] : memref<10000x128xf32, #tpu.memory_space<hbm>> -> memref<10000x128xf32, #tpu.memory_space<hbm>>
        tpu.enqueue_indirect_dma source(%dma_start3A_541 : memref<10000x128xf32, #tpu.memory_space<hbm>>) target(%dma_start3A_537 : memref<64x128xf32, #tpu.memory_space<vmem>>) offsets(%dma_start3A_538 : memref<64xi32, #tpu.memory_space<vmem>>) semaphore(%arg14 : memref<!tpu.dma_semaphore, #tpu.memory_space<semaphore_mem>>)
        %dma_wait3A_542 = arith.constant 0 : i32
        %dma_wait3A_543 = arith.constant 0 : i32
        %dma_wait3A_544 = tpu.memref_slice %arg10[%dma_wait3A_542, %dma_wait3A_543] : memref<40x128xi32, #tpu.memory_space<vmem>> -> memref<1x128xi32, #tpu.memory_space<vmem>>
        %dma_wait3A_545 = tpu.memref_squeeze %dma_wait3A_544 : memref<1x128xi32, #tpu.memory_space<vmem>> -> memref<128xi32, #tpu.memory_space<vmem>>
        %dma_wait3A_546 = arith.constant 0 : i32
        %dma_wait3A_547 = arith.constant 0 : i32
        %dma_wait3A_548 = tpu.memref_slice %arg13[%dma_wait3A_546, %dma_wait3A_547] : memref<10240x128xf32, #tpu.memory_space<vmem_shared>> -> memref<10240x128xf32, #tpu.memory_space<vmem_shared>>
        tpu.wait_indirect_dma semaphore(%arg17 : memref<!tpu.dma_semaphore, #tpu.memory_space<semaphore_mem>>) src(%arg12 : memref<128x128xf32, #tpu.memory_space<vmem>>) dst(%dma_wait3A_548 : memref<10240x128xf32, #tpu.memory_space<vmem_shared>>)
        %add3A_549 = arith.constant 2 : i32
        %add3A_550 = arith.addi %add3A_464, %add3A_549 : i32
        %mul3A_551 = arith.constant 128 : i32
        %mul3A_552 = arith.muli %add3A_550, %mul3A_551 : i32
        %multiple_of3A_553 = tpu.assume_multiple %mul3A_552, 8 : i32
        %mul3A_554 = arith.constant 128 : i32
        %mul3A_555 = arith.muli %add3A_550, %mul3A_554 : i32
        %add3A_556 = arith.constant 64 : i32
        %add3A_557 = arith.addi %mul3A_555, %add3A_556 : i32
        %multiple_of3A_558 = tpu.assume_multiple %add3A_557, 8 : i32
        %dma_start3A_559 = arith.constant 0 : i32
        %dma_start3A_560 = arith.constant 0 : i32
        %dma_start3A_561 = tpu.memref_slice %arg12[%dma_start3A_559, %dma_start3A_560] : memref<128x128xf32, #tpu.memory_space<vmem>> -> memref<64x128xf32, #tpu.memory_space<vmem>>
        %dma_start3A_562 = tpu.memref_slice %arg9[%multiple_of3A_553] : memref<5120xi32, #tpu.memory_space<vmem>> -> memref<64xi32, #tpu.memory_space<vmem>>
        %dma_start3A_563 = arith.constant 0 : i32
        %dma_start3A_564 = arith.constant 0 : i32
        %dma_start3A_565 = tpu.memref_slice %arg4[%dma_start3A_563, %dma_start3A_564] : memref<10000x128xf32, #tpu.memory_space<hbm>> -> memref<10000x128xf32, #tpu.memory_space<hbm>>
        tpu.enqueue_indirect_dma source(%dma_start3A_565 : memref<10000x128xf32, #tpu.memory_space<hbm>>) target(%dma_start3A_561 : memref<64x128xf32, #tpu.memory_space<vmem>>) offsets(%dma_start3A_562 : memref<64xi32, #tpu.memory_space<vmem>>) semaphore(%arg15 : memref<!tpu.dma_semaphore, #tpu.memory_space<semaphore_mem>>)
        %dma_start3A_566 = arith.constant 64 : i32
        %dma_start3A_567 = arith.constant 0 : i32
        %dma_start3A_568 = tpu.memref_slice %arg12[%dma_start3A_566, %dma_start3A_567] : memref<128x128xf32, #tpu.memory_space<vmem>> -> memref<64x128xf32, #tpu.memory_space<vmem>>
        %dma_start3A_569 = tpu.memref_slice %arg9[%multiple_of3A_558] : memref<5120xi32, #tpu.memory_space<vmem>> -> memref<64xi32, #tpu.memory_space<vmem>>
        %dma_start3A_570 = arith.constant 0 : i32
        %dma_start3A_571 = arith.constant 0 : i32
        %dma_start3A_572 = tpu.memref_slice %arg4[%dma_start3A_570, %dma_start3A_571] : memref<10000x128xf32, #tpu.memory_space<hbm>> -> memref<10000x128xf32, #tpu.memory_space<hbm>>
        tpu.enqueue_indirect_dma source(%dma_start3A_572 : memref<10000x128xf32, #tpu.memory_space<hbm>>) target(%dma_start3A_568 : memref<64x128xf32, #tpu.memory_space<vmem>>) offsets(%dma_start3A_569 : memref<64xi32, #tpu.memory_space<vmem>>) semaphore(%arg15 : memref<!tpu.dma_semaphore, #tpu.memory_space<semaphore_mem>>)
      } else {
      }
    }
    %scan3A_108 = arith.constant 20 : i32
    %dma_wait3A_109 = arith.constant 0 : i32
    %dma_wait3A_110 = arith.constant 0 : i32
    %dma_wait3A_111 = tpu.memref_slice %arg10[%dma_wait3A_109, %dma_wait3A_110] : memref<40x128xi32, #tpu.memory_space<vmem>> -> memref<1x128xi32, #tpu.memory_space<vmem>>
    %dma_wait3A_112 = tpu.memref_squeeze %dma_wait3A_111 : memref<1x128xi32, #tpu.memory_space<vmem>> -> memref<128xi32, #tpu.memory_space<vmem>>
    %dma_wait3A_113 = arith.constant 0 : i32
    %dma_wait3A_114 = arith.constant 0 : i32
    %dma_wait3A_115 = tpu.memref_slice %arg13[%dma_wait3A_113, %dma_wait3A_114] : memref<10240x128xf32, #tpu.memory_space<vmem_shared>> -> memref<10240x128xf32, #tpu.memory_space<vmem_shared>>
    tpu.wait_indirect_dma semaphore(%arg16 : memref<!tpu.dma_semaphore, #tpu.memory_space<semaphore_mem>>) src(%arg11 : memref<128x128xf32, #tpu.memory_space<vmem>>) dst(%dma_wait3A_115 : memref<10240x128xf32, #tpu.memory_space<vmem_shared>>)
    %dma_wait3A_116 = arith.constant 0 : i32
    %dma_wait3A_117 = arith.constant 0 : i32
    %dma_wait3A_118 = tpu.memref_slice %arg10[%dma_wait3A_116, %dma_wait3A_117] : memref<40x128xi32, #tpu.memory_space<vmem>> -> memref<1x128xi32, #tpu.memory_space<vmem>>
    %dma_wait3A_119 = tpu.memref_squeeze %dma_wait3A_118 : memref<1x128xi32, #tpu.memory_space<vmem>> -> memref<128xi32, #tpu.memory_space<vmem>>
    %dma_wait3A_120 = arith.constant 0 : i32
    %dma_wait3A_121 = arith.constant 0 : i32
    %dma_wait3A_122 = tpu.memref_slice %arg13[%dma_wait3A_120, %dma_wait3A_121] : memref<10240x128xf32, #tpu.memory_space<vmem_shared>> -> memref<10240x128xf32, #tpu.memory_space<vmem_shared>>
    tpu.wait_indirect_dma semaphore(%arg17 : memref<!tpu.dma_semaphore, #tpu.memory_space<semaphore_mem>>) src(%arg12 : memref<128x128xf32, #tpu.memory_space<vmem>>) dst(%dma_wait3A_122 : memref<10240x128xf32, #tpu.memory_space<vmem_shared>>)
    "tpu.trace_stop"() : () -> ()
    %mul3A_123 = arith.constant 10240 : i32
    %mul3A_124 = arith.muli %add3A, %mul3A_123 : i32
    %add3A_125 = arith.constant 5120 : i32
    %add3A_126 = arith.addi %mul3A_124, %add3A_125 : i32
    "tpu.region"() ({
      %run_scoped3A = tpu.sem_alloc : memref<!tpu.dma_semaphore, #tpu.memory_space<semaphore_mem>>
      %dma_start3A_460 = tpu.memref_slice %arg2[%add3A_126] : memref<327680xi32, #tpu.memory_space<hbm>> -> memref<5120xi32, #tpu.memory_space<hbm>>
      %dma_start3A_461 = tpu.memref_slice %arg2[%add3A_126] : memref<327680xi32, #tpu.memory_space<hbm>> -> memref<5120xi32, #tpu.memory_space<hbm>>
      tpu.enqueue_dma source(%dma_start3A_461 : memref<5120xi32, #tpu.memory_space<hbm>>) target(%arg9 : memref<5120xi32, #tpu.memory_space<vmem>>) target_semaphore(%run_scoped3A : memref<!tpu.dma_semaphore, #tpu.memory_space<semaphore_mem>>)
      %dma_wait3A_462 = tpu.memref_slice %arg2[%add3A_126] : memref<327680xi32, #tpu.memory_space<hbm>> -> memref<5120xi32, #tpu.memory_space<hbm>>
      %dma_wait3A_463 = tpu.memref_slice %arg2[%add3A_126] : memref<327680xi32, #tpu.memory_space<hbm>> -> memref<5120xi32, #tpu.memory_space<hbm>>
      tpu.wait_dma2 semaphore(%run_scoped3A : memref<!tpu.dma_semaphore, #tpu.memory_space<semaphore_mem>>) src(%dma_wait3A_463 : memref<5120xi32, #tpu.memory_space<hbm>>) dst(%arg9 : memref<5120xi32, #tpu.memory_space<vmem>>)
      tpu.yield
    }) : () -> ()
    %mul3A_127 = arith.constant 80 : i32
    %mul3A_128 = arith.muli %add3A, %mul3A_127 : i32
    %add3A_129 = arith.constant 40 : i32
    %add3A_130 = arith.addi %mul3A_128, %add3A_129 : i32
    "tpu.region"() ({
      %run_scoped3A = tpu.sem_alloc : memref<!tpu.dma_semaphore, #tpu.memory_space<semaphore_mem>>
      %dma_start3A_460 = arith.constant 0 : i32
      %dma_start3A_461 = tpu.memref_slice %arg3[%add3A_130, %dma_start3A_460] : memref<2560x128xi32, #tpu.memory_space<hbm>> -> memref<40x128xi32, #tpu.memory_space<hbm>>
      %dma_start3A_462 = arith.constant 0 : i32
      %dma_start3A_463 = tpu.memref_slice %arg3[%add3A_130, %dma_start3A_462] : memref<2560x128xi32, #tpu.memory_space<hbm>> -> memref<40x128xi32, #tpu.memory_space<hbm>>
      tpu.enqueue_dma source(%dma_start3A_463 : memref<40x128xi32, #tpu.memory_space<hbm>>) target(%arg10 : memref<40x128xi32, #tpu.memory_space<vmem>>) target_semaphore(%run_scoped3A : memref<!tpu.dma_semaphore, #tpu.memory_space<semaphore_mem>>)
      %dma_wait3A_464 = arith.constant 0 : i32
      %dma_wait3A_465 = tpu.memref_slice %arg3[%add3A_130, %dma_wait3A_464] : memref<2560x128xi32, #tpu.memory_space<hbm>> -> memref<40x128xi32, #tpu.memory_space<hbm>>
      %dma_wait3A_466 = arith.constant 0 : i32
      %dma_wait3A_467 = tpu.memref_slice %arg3[%add3A_130, %dma_wait3A_466] : memref<2560x128xi32, #tpu.memory_space<hbm>> -> memref<40x128xi32, #tpu.memory_space<hbm>>
      tpu.wait_dma2 semaphore(%run_scoped3A : memref<!tpu.dma_semaphore, #tpu.memory_space<semaphore_mem>>) src(%dma_wait3A_467 : memref<40x128xi32, #tpu.memory_space<hbm>>) dst(%arg10 : memref<40x128xi32, #tpu.memory_space<vmem>>)
      tpu.yield
    }) : () -> ()
    %multiple_of3A_131 = arith.constant 0 : i32
    %multiple_of3A_132 = tpu.assume_multiple %multiple_of3A_131, 8 : i32
    %multiple_of3A_133 = arith.constant 64 : i32
    %multiple_of3A_134 = tpu.assume_multiple %multiple_of3A_133, 8 : i32
    %dma_start3A_135 = arith.constant 0 : i32
    %dma_start3A_136 = arith.constant 0 : i32
    %dma_start3A_137 = tpu.memref_slice %arg11[%dma_start3A_135, %dma_start3A_136] : memref<128x128xf32, #tpu.memory_space<vmem>> -> memref<64x128xf32, #tpu.memory_space<vmem>>
    %dma_start3A_138 = tpu.memref_slice %arg9[%multiple_of3A_132] : memref<5120xi32, #tpu.memory_space<vmem>> -> memref<64xi32, #tpu.memory_space<vmem>>
    %dma_start3A_139 = arith.constant 0 : i32
    %dma_start3A_140 = arith.constant 0 : i32
    %dma_start3A_141 = tpu.memref_slice %arg4[%dma_start3A_139, %dma_start3A_140] : memref<10000x128xf32, #tpu.memory_space<hbm>> -> memref<10000x128xf32, #tpu.memory_space<hbm>>
    tpu.enqueue_indirect_dma source(%dma_start3A_141 : memref<10000x128xf32, #tpu.memory_space<hbm>>) target(%dma_start3A_137 : memref<64x128xf32, #tpu.memory_space<vmem>>) offsets(%dma_start3A_138 : memref<64xi32, #tpu.memory_space<vmem>>) semaphore(%arg14 : memref<!tpu.dma_semaphore, #tpu.memory_space<semaphore_mem>>)
    %dma_start3A_142 = arith.constant 64 : i32
    %dma_start3A_143 = arith.constant 0 : i32
    %dma_start3A_144 = tpu.memref_slice %arg11[%dma_start3A_142, %dma_start3A_143] : memref<128x128xf32, #tpu.memory_space<vmem>> -> memref<64x128xf32, #tpu.memory_space<vmem>>
    %dma_start3A_145 = tpu.memref_slice %arg9[%multiple_of3A_134] : memref<5120xi32, #tpu.memory_space<vmem>> -> memref<64xi32, #tpu.memory_space<vmem>>
    %dma_start3A_146 = arith.constant 0 : i32
    %dma_start3A_147 = arith.constant 0 : i32
    %dma_start3A_148 = tpu.memref_slice %arg4[%dma_start3A_146, %dma_start3A_147] : memref<10000x128xf32, #tpu.memory_space<hbm>> -> memref<10000x128xf32, #tpu.memory_space<hbm>>
    tpu.enqueue_indirect_dma source(%dma_start3A_148 : memref<10000x128xf32, #tpu.memory_space<hbm>>) target(%dma_start3A_144 : memref<64x128xf32, #tpu.memory_space<vmem>>) offsets(%dma_start3A_145 : memref<64xi32, #tpu.memory_space<vmem>>) semaphore(%arg14 : memref<!tpu.dma_semaphore, #tpu.memory_space<semaphore_mem>>)
    %multiple_of3A_149 = arith.constant 128 : i32
    %multiple_of3A_150 = tpu.assume_multiple %multiple_of3A_149, 8 : i32
    %multiple_of3A_151 = arith.constant 192 : i32
    %multiple_of3A_152 = tpu.assume_multiple %multiple_of3A_151, 8 : i32
    %dma_start3A_153 = arith.constant 0 : i32
    %dma_start3A_154 = arith.constant 0 : i32
    %dma_start3A_155 = tpu.memref_slice %arg12[%dma_start3A_153, %dma_start3A_154] : memref<128x128xf32, #tpu.memory_space<vmem>> -> memref<64x128xf32, #tpu.memory_space<vmem>>
    %dma_start3A_156 = tpu.memref_slice %arg9[%multiple_of3A_150] : memref<5120xi32, #tpu.memory_space<vmem>> -> memref<64xi32, #tpu.memory_space<vmem>>
    %dma_start3A_157 = arith.constant 0 : i32
    %dma_start3A_158 = arith.constant 0 : i32
    %dma_start3A_159 = tpu.memref_slice %arg4[%dma_start3A_157, %dma_start3A_158] : memref<10000x128xf32, #tpu.memory_space<hbm>> -> memref<10000x128xf32, #tpu.memory_space<hbm>>
    tpu.enqueue_indirect_dma source(%dma_start3A_159 : memref<10000x128xf32, #tpu.memory_space<hbm>>) target(%dma_start3A_155 : memref<64x128xf32, #tpu.memory_space<vmem>>) offsets(%dma_start3A_156 : memref<64xi32, #tpu.memory_space<vmem>>) semaphore(%arg15 : memref<!tpu.dma_semaphore, #tpu.memory_space<semaphore_mem>>)
    %dma_start3A_160 = arith.constant 64 : i32
    %dma_start3A_161 = arith.constant 0 : i32
    %dma_start3A_162 = tpu.memref_slice %arg12[%dma_start3A_160, %dma_start3A_161] : memref<128x128xf32, #tpu.memory_space<vmem>> -> memref<64x128xf32, #tpu.memory_space<vmem>>
    %dma_start3A_163 = tpu.memref_slice %arg9[%multiple_of3A_152] : memref<5120xi32, #tpu.memory_space<vmem>> -> memref<64xi32, #tpu.memory_space<vmem>>
    %dma_start3A_164 = arith.constant 0 : i32
    %dma_start3A_165 = arith.constant 0 : i32
    %dma_start3A_166 = tpu.memref_slice %arg4[%dma_start3A_164, %dma_start3A_165] : memref<10000x128xf32, #tpu.memory_space<hbm>> -> memref<10000x128xf32, #tpu.memory_space<hbm>>
    tpu.enqueue_indirect_dma source(%dma_start3A_166 : memref<10000x128xf32, #tpu.memory_space<hbm>>) target(%dma_start3A_162 : memref<64x128xf32, #tpu.memory_space<vmem>>) offsets(%dma_start3A_163 : memref<64xi32, #tpu.memory_space<vmem>>) semaphore(%arg15 : memref<!tpu.dma_semaphore, #tpu.memory_space<semaphore_mem>>)
    "tpu.trace_start"() <{level = 10 : i32, message = "p1loop"}> : () -> ()
    %scan3A_167 = arith.constant 0 : i32
    %scan3A_168 = arith.constant 0 : i32
    %scan3A_169 = arith.constant 20 : i32
    %scan3A_170 = arith.addi %scan3A_168, %scan3A_169 : i32
    %scan3A_171 = arith.constant 1 : i32
    scf.for %scan3A_460 = %scan3A_168 to %scan3A_170 step %scan3A_171  : i32 {
      %mul3A_461 = arith.constant 2 : i32
      %mul3A_462 = arith.muli %scan3A_460, %mul3A_461 : i32
      %add3A_463 = arith.constant 1 : i32
      %add3A_464 = arith.addi %mul3A_462, %add3A_463 : i32
      %dma_wait3A_465 = arith.constant 0 : i32
      %dma_wait3A_466 = arith.constant 0 : i32
      %dma_wait3A_467 = tpu.memref_slice %arg11[%dma_wait3A_465, %dma_wait3A_466] : memref<128x128xf32, #tpu.memory_space<vmem>> -> memref<64x128xf32, #tpu.memory_space<vmem>>
      %dma_wait3A_468 = arith.constant 0 : i32
      %dma_wait3A_469 = tpu.memref_slice %arg9[%dma_wait3A_468] : memref<5120xi32, #tpu.memory_space<vmem>> -> memref<64xi32, #tpu.memory_space<vmem>>
      %dma_wait3A_470 = arith.constant 0 : i32
      %dma_wait3A_471 = arith.constant 0 : i32
      %dma_wait3A_472 = tpu.memref_slice %arg4[%dma_wait3A_470, %dma_wait3A_471] : memref<10000x128xf32, #tpu.memory_space<hbm>> -> memref<10000x128xf32, #tpu.memory_space<hbm>>
      tpu.wait_indirect_dma semaphore(%arg14 : memref<!tpu.dma_semaphore, #tpu.memory_space<semaphore_mem>>) src(%dma_wait3A_472 : memref<10000x128xf32, #tpu.memory_space<hbm>>) dst(%dma_wait3A_467 : memref<64x128xf32, #tpu.memory_space<vmem>>)
      %dma_wait3A_473 = arith.constant 64 : i32
      %dma_wait3A_474 = arith.constant 0 : i32
      %dma_wait3A_475 = tpu.memref_slice %arg11[%dma_wait3A_473, %dma_wait3A_474] : memref<128x128xf32, #tpu.memory_space<vmem>> -> memref<64x128xf32, #tpu.memory_space<vmem>>
      %dma_wait3A_476 = arith.constant 0 : i32
      %dma_wait3A_477 = tpu.memref_slice %arg9[%dma_wait3A_476] : memref<5120xi32, #tpu.memory_space<vmem>> -> memref<64xi32, #tpu.memory_space<vmem>>
      %dma_wait3A_478 = arith.constant 0 : i32
      %dma_wait3A_479 = arith.constant 0 : i32
      %dma_wait3A_480 = tpu.memref_slice %arg4[%dma_wait3A_478, %dma_wait3A_479] : memref<10000x128xf32, #tpu.memory_space<hbm>> -> memref<10000x128xf32, #tpu.memory_space<hbm>>
      tpu.wait_indirect_dma semaphore(%arg14 : memref<!tpu.dma_semaphore, #tpu.memory_space<semaphore_mem>>) src(%dma_wait3A_480 : memref<10000x128xf32, #tpu.memory_space<hbm>>) dst(%dma_wait3A_475 : memref<64x128xf32, #tpu.memory_space<vmem>>)
      %dma_start3A_481 = arith.constant 0 : i32
      %dma_start3A_482 = tpu.memref_slice %arg10[%mul3A_462, %dma_start3A_481] : memref<40x128xi32, #tpu.memory_space<vmem>> -> memref<1x128xi32, #tpu.memory_space<vmem>>
      %dma_start3A_483 = tpu.memref_squeeze %dma_start3A_482 : memref<1x128xi32, #tpu.memory_space<vmem>> -> memref<128xi32, #tpu.memory_space<vmem>>
      %dma_start3A_484 = arith.constant 0 : i32
      %dma_start3A_485 = arith.constant 0 : i32
      %dma_start3A_486 = tpu.memref_slice %arg13[%dma_start3A_484, %dma_start3A_485] : memref<10240x128xf32, #tpu.memory_space<vmem_shared>> -> memref<10240x128xf32, #tpu.memory_space<vmem_shared>>
      tpu.enqueue_indirect_dma source(%arg11 : memref<128x128xf32, #tpu.memory_space<vmem>>) target(%dma_start3A_486 : memref<10240x128xf32, #tpu.memory_space<vmem_shared>>) offsets(%dma_start3A_483 : memref<128xi32, #tpu.memory_space<vmem>>) semaphore(%arg16 : memref<!tpu.dma_semaphore, #tpu.memory_space<semaphore_mem>>) {add = true}
      %dma_wait3A_487 = arith.constant 0 : i32
      %dma_wait3A_488 = arith.constant 0 : i32
      %dma_wait3A_489 = tpu.memref_slice %arg12[%dma_wait3A_487, %dma_wait3A_488] : memref<128x128xf32, #tpu.memory_space<vmem>> -> memref<64x128xf32, #tpu.memory_space<vmem>>
      %dma_wait3A_490 = arith.constant 0 : i32
      %dma_wait3A_491 = tpu.memref_slice %arg9[%dma_wait3A_490] : memref<5120xi32, #tpu.memory_space<vmem>> -> memref<64xi32, #tpu.memory_space<vmem>>
      %dma_wait3A_492 = arith.constant 0 : i32
      %dma_wait3A_493 = arith.constant 0 : i32
      %dma_wait3A_494 = tpu.memref_slice %arg4[%dma_wait3A_492, %dma_wait3A_493] : memref<10000x128xf32, #tpu.memory_space<hbm>> -> memref<10000x128xf32, #tpu.memory_space<hbm>>
      tpu.wait_indirect_dma semaphore(%arg15 : memref<!tpu.dma_semaphore, #tpu.memory_space<semaphore_mem>>) src(%dma_wait3A_494 : memref<10000x128xf32, #tpu.memory_space<hbm>>) dst(%dma_wait3A_489 : memref<64x128xf32, #tpu.memory_space<vmem>>)
      %dma_wait3A_495 = arith.constant 64 : i32
      %dma_wait3A_496 = arith.constant 0 : i32
      %dma_wait3A_497 = tpu.memref_slice %arg12[%dma_wait3A_495, %dma_wait3A_496] : memref<128x128xf32, #tpu.memory_space<vmem>> -> memref<64x128xf32, #tpu.memory_space<vmem>>
      %dma_wait3A_498 = arith.constant 0 : i32
      %dma_wait3A_499 = tpu.memref_slice %arg9[%dma_wait3A_498] : memref<5120xi32, #tpu.memory_space<vmem>> -> memref<64xi32, #tpu.memory_space<vmem>>
      %dma_wait3A_500 = arith.constant 0 : i32
      %dma_wait3A_501 = arith.constant 0 : i32
      %dma_wait3A_502 = tpu.memref_slice %arg4[%dma_wait3A_500, %dma_wait3A_501] : memref<10000x128xf32, #tpu.memory_space<hbm>> -> memref<10000x128xf32, #tpu.memory_space<hbm>>
      tpu.wait_indirect_dma semaphore(%arg15 : memref<!tpu.dma_semaphore, #tpu.memory_space<semaphore_mem>>) src(%dma_wait3A_502 : memref<10000x128xf32, #tpu.memory_space<hbm>>) dst(%dma_wait3A_497 : memref<64x128xf32, #tpu.memory_space<vmem>>)
      %dma_start3A_503 = arith.constant 0 : i32
      %dma_start3A_504 = tpu.memref_slice %arg10[%add3A_464, %dma_start3A_503] : memref<40x128xi32, #tpu.memory_space<vmem>> -> memref<1x128xi32, #tpu.memory_space<vmem>>
      %dma_start3A_505 = tpu.memref_squeeze %dma_start3A_504 : memref<1x128xi32, #tpu.memory_space<vmem>> -> memref<128xi32, #tpu.memory_space<vmem>>
      %dma_start3A_506 = arith.constant 0 : i32
      %dma_start3A_507 = arith.constant 0 : i32
      %dma_start3A_508 = tpu.memref_slice %arg13[%dma_start3A_506, %dma_start3A_507] : memref<10240x128xf32, #tpu.memory_space<vmem_shared>> -> memref<10240x128xf32, #tpu.memory_space<vmem_shared>>
      tpu.enqueue_indirect_dma source(%arg12 : memref<128x128xf32, #tpu.memory_space<vmem>>) target(%dma_start3A_508 : memref<10240x128xf32, #tpu.memory_space<vmem_shared>>) offsets(%dma_start3A_505 : memref<128xi32, #tpu.memory_space<vmem>>) semaphore(%arg17 : memref<!tpu.dma_semaphore, #tpu.memory_space<semaphore_mem>>) {add = true}
      %lt3A = arith.constant 19 : i32
      %lt3A_509 = arith.cmpi slt, %scan3A_460, %lt3A : i32
      %convert_element_type3A = arith.extui %lt3A_509 : i1 to i32
      %cond3A = arith.constant 0 : i32
      %cond3A_510 = arith.cmpi ne, %convert_element_type3A, %cond3A : i32
      scf.if %cond3A_510 {
        %dma_wait3A_511 = arith.constant 0 : i32
        %dma_wait3A_512 = arith.constant 0 : i32
        %dma_wait3A_513 = tpu.memref_slice %arg10[%dma_wait3A_511, %dma_wait3A_512] : memref<40x128xi32, #tpu.memory_space<vmem>> -> memref<1x128xi32, #tpu.memory_space<vmem>>
        %dma_wait3A_514 = tpu.memref_squeeze %dma_wait3A_513 : memref<1x128xi32, #tpu.memory_space<vmem>> -> memref<128xi32, #tpu.memory_space<vmem>>
        %dma_wait3A_515 = arith.constant 0 : i32
        %dma_wait3A_516 = arith.constant 0 : i32
        %dma_wait3A_517 = tpu.memref_slice %arg13[%dma_wait3A_515, %dma_wait3A_516] : memref<10240x128xf32, #tpu.memory_space<vmem_shared>> -> memref<10240x128xf32, #tpu.memory_space<vmem_shared>>
        tpu.wait_indirect_dma semaphore(%arg16 : memref<!tpu.dma_semaphore, #tpu.memory_space<semaphore_mem>>) src(%arg11 : memref<128x128xf32, #tpu.memory_space<vmem>>) dst(%dma_wait3A_517 : memref<10240x128xf32, #tpu.memory_space<vmem_shared>>)
        %add3A_518 = arith.constant 2 : i32
        %add3A_519 = arith.addi %mul3A_462, %add3A_518 : i32
        %mul3A_520 = arith.constant 128 : i32
        %mul3A_521 = arith.muli %add3A_519, %mul3A_520 : i32
        %multiple_of3A_522 = tpu.assume_multiple %mul3A_521, 8 : i32
        %mul3A_523 = arith.constant 128 : i32
        %mul3A_524 = arith.muli %add3A_519, %mul3A_523 : i32
        %add3A_525 = arith.constant 64 : i32
        %add3A_526 = arith.addi %mul3A_524, %add3A_525 : i32
        %multiple_of3A_527 = tpu.assume_multiple %add3A_526, 8 : i32
        %dma_start3A_528 = arith.constant 0 : i32
        %dma_start3A_529 = arith.constant 0 : i32
        %dma_start3A_530 = tpu.memref_slice %arg11[%dma_start3A_528, %dma_start3A_529] : memref<128x128xf32, #tpu.memory_space<vmem>> -> memref<64x128xf32, #tpu.memory_space<vmem>>
        %dma_start3A_531 = tpu.memref_slice %arg9[%multiple_of3A_522] : memref<5120xi32, #tpu.memory_space<vmem>> -> memref<64xi32, #tpu.memory_space<vmem>>
        %dma_start3A_532 = arith.constant 0 : i32
        %dma_start3A_533 = arith.constant 0 : i32
        %dma_start3A_534 = tpu.memref_slice %arg4[%dma_start3A_532, %dma_start3A_533] : memref<10000x128xf32, #tpu.memory_space<hbm>> -> memref<10000x128xf32, #tpu.memory_space<hbm>>
        tpu.enqueue_indirect_dma source(%dma_start3A_534 : memref<10000x128xf32, #tpu.memory_space<hbm>>) target(%dma_start3A_530 : memref<64x128xf32, #tpu.memory_space<vmem>>) offsets(%dma_start3A_531 : memref<64xi32, #tpu.memory_space<vmem>>) semaphore(%arg14 : memref<!tpu.dma_semaphore, #tpu.memory_space<semaphore_mem>>)
        %dma_start3A_535 = arith.constant 64 : i32
        %dma_start3A_536 = arith.constant 0 : i32
        %dma_start3A_537 = tpu.memref_slice %arg11[%dma_start3A_535, %dma_start3A_536] : memref<128x128xf32, #tpu.memory_space<vmem>> -> memref<64x128xf32, #tpu.memory_space<vmem>>
        %dma_start3A_538 = tpu.memref_slice %arg9[%multiple_of3A_527] : memref<5120xi32, #tpu.memory_space<vmem>> -> memref<64xi32, #tpu.memory_space<vmem>>
        %dma_start3A_539 = arith.constant 0 : i32
        %dma_start3A_540 = arith.constant 0 : i32
        %dma_start3A_541 = tpu.memref_slice %arg4[%dma_start3A_539, %dma_start3A_540] : memref<10000x128xf32, #tpu.memory_space<hbm>> -> memref<10000x128xf32, #tpu.memory_space<hbm>>
        tpu.enqueue_indirect_dma source(%dma_start3A_541 : memref<10000x128xf32, #tpu.memory_space<hbm>>) target(%dma_start3A_537 : memref<64x128xf32, #tpu.memory_space<vmem>>) offsets(%dma_start3A_538 : memref<64xi32, #tpu.memory_space<vmem>>) semaphore(%arg14 : memref<!tpu.dma_semaphore, #tpu.memory_space<semaphore_mem>>)
        %dma_wait3A_542 = arith.constant 0 : i32
        %dma_wait3A_543 = arith.constant 0 : i32
        %dma_wait3A_544 = tpu.memref_slice %arg10[%dma_wait3A_542, %dma_wait3A_543] : memref<40x128xi32, #tpu.memory_space<vmem>> -> memref<1x128xi32, #tpu.memory_space<vmem>>
        %dma_wait3A_545 = tpu.memref_squeeze %dma_wait3A_544 : memref<1x128xi32, #tpu.memory_space<vmem>> -> memref<128xi32, #tpu.memory_space<vmem>>
        %dma_wait3A_546 = arith.constant 0 : i32
        %dma_wait3A_547 = arith.constant 0 : i32
        %dma_wait3A_548 = tpu.memref_slice %arg13[%dma_wait3A_546, %dma_wait3A_547] : memref<10240x128xf32, #tpu.memory_space<vmem_shared>> -> memref<10240x128xf32, #tpu.memory_space<vmem_shared>>
        tpu.wait_indirect_dma semaphore(%arg17 : memref<!tpu.dma_semaphore, #tpu.memory_space<semaphore_mem>>) src(%arg12 : memref<128x128xf32, #tpu.memory_space<vmem>>) dst(%dma_wait3A_548 : memref<10240x128xf32, #tpu.memory_space<vmem_shared>>)
        %add3A_549 = arith.constant 2 : i32
        %add3A_550 = arith.addi %add3A_464, %add3A_549 : i32
        %mul3A_551 = arith.constant 128 : i32
        %mul3A_552 = arith.muli %add3A_550, %mul3A_551 : i32
        %multiple_of3A_553 = tpu.assume_multiple %mul3A_552, 8 : i32
        %mul3A_554 = arith.constant 128 : i32
        %mul3A_555 = arith.muli %add3A_550, %mul3A_554 : i32
        %add3A_556 = arith.constant 64 : i32
        %add3A_557 = arith.addi %mul3A_555, %add3A_556 : i32
        %multiple_of3A_558 = tpu.assume_multiple %add3A_557, 8 : i32
        %dma_start3A_559 = arith.constant 0 : i32
        %dma_start3A_560 = arith.constant 0 : i32
        %dma_start3A_561 = tpu.memref_slice %arg12[%dma_start3A_559, %dma_start3A_560] : memref<128x128xf32, #tpu.memory_space<vmem>> -> memref<64x128xf32, #tpu.memory_space<vmem>>
        %dma_start3A_562 = tpu.memref_slice %arg9[%multiple_of3A_553] : memref<5120xi32, #tpu.memory_space<vmem>> -> memref<64xi32, #tpu.memory_space<vmem>>
        %dma_start3A_563 = arith.constant 0 : i32
        %dma_start3A_564 = arith.constant 0 : i32
        %dma_start3A_565 = tpu.memref_slice %arg4[%dma_start3A_563, %dma_start3A_564] : memref<10000x128xf32, #tpu.memory_space<hbm>> -> memref<10000x128xf32, #tpu.memory_space<hbm>>
        tpu.enqueue_indirect_dma source(%dma_start3A_565 : memref<10000x128xf32, #tpu.memory_space<hbm>>) target(%dma_start3A_561 : memref<64x128xf32, #tpu.memory_space<vmem>>) offsets(%dma_start3A_562 : memref<64xi32, #tpu.memory_space<vmem>>) semaphore(%arg15 : memref<!tpu.dma_semaphore, #tpu.memory_space<semaphore_mem>>)
        %dma_start3A_566 = arith.constant 64 : i32
        %dma_start3A_567 = arith.constant 0 : i32
        %dma_start3A_568 = tpu.memref_slice %arg12[%dma_start3A_566, %dma_start3A_567] : memref<128x128xf32, #tpu.memory_space<vmem>> -> memref<64x128xf32, #tpu.memory_space<vmem>>
        %dma_start3A_569 = tpu.memref_slice %arg9[%multiple_of3A_558] : memref<5120xi32, #tpu.memory_space<vmem>> -> memref<64xi32, #tpu.memory_space<vmem>>
        %dma_start3A_570 = arith.constant 0 : i32
        %dma_start3A_571 = arith.constant 0 : i32
        %dma_start3A_572 = tpu.memref_slice %arg4[%dma_start3A_570, %dma_start3A_571] : memref<10000x128xf32, #tpu.memory_space<hbm>> -> memref<10000x128xf32, #tpu.memory_space<hbm>>
        tpu.enqueue_indirect_dma source(%dma_start3A_572 : memref<10000x128xf32, #tpu.memory_space<hbm>>) target(%dma_start3A_568 : memref<64x128xf32, #tpu.memory_space<vmem>>) offsets(%dma_start3A_569 : memref<64xi32, #tpu.memory_space<vmem>>) semaphore(%arg15 : memref<!tpu.dma_semaphore, #tpu.memory_space<semaphore_mem>>)
      } else {
      }
    }
    %scan3A_172 = arith.constant 20 : i32
    %dma_wait3A_173 = arith.constant 0 : i32
    %dma_wait3A_174 = arith.constant 0 : i32
    %dma_wait3A_175 = tpu.memref_slice %arg10[%dma_wait3A_173, %dma_wait3A_174] : memref<40x128xi32, #tpu.memory_space<vmem>> -> memref<1x128xi32, #tpu.memory_space<vmem>>
    %dma_wait3A_176 = tpu.memref_squeeze %dma_wait3A_175 : memref<1x128xi32, #tpu.memory_space<vmem>> -> memref<128xi32, #tpu.memory_space<vmem>>
    %dma_wait3A_177 = arith.constant 0 : i32
    %dma_wait3A_178 = arith.constant 0 : i32
    %dma_wait3A_179 = tpu.memref_slice %arg13[%dma_wait3A_177, %dma_wait3A_178] : memref<10240x128xf32, #tpu.memory_space<vmem_shared>> -> memref<10240x128xf32, #tpu.memory_space<vmem_shared>>
    tpu.wait_indirect_dma semaphore(%arg16 : memref<!tpu.dma_semaphore, #tpu.memory_space<semaphore_mem>>) src(%arg11 : memref<128x128xf32, #tpu.memory_space<vmem>>) dst(%dma_wait3A_179 : memref<10240x128xf32, #tpu.memory_space<vmem_shared>>)
    %dma_wait3A_180 = arith.constant 0 : i32
    %dma_wait3A_181 = arith.constant 0 : i32
    %dma_wait3A_182 = tpu.memref_slice %arg10[%dma_wait3A_180, %dma_wait3A_181] : memref<40x128xi32, #tpu.memory_space<vmem>> -> memref<1x128xi32, #tpu.memory_space<vmem>>
    %dma_wait3A_183 = tpu.memref_squeeze %dma_wait3A_182 : memref<1x128xi32, #tpu.memory_space<vmem>> -> memref<128xi32, #tpu.memory_space<vmem>>
    %dma_wait3A_184 = arith.constant 0 : i32
    %dma_wait3A_185 = arith.constant 0 : i32
    %dma_wait3A_186 = tpu.memref_slice %arg13[%dma_wait3A_184, %dma_wait3A_185] : memref<10240x128xf32, #tpu.memory_space<vmem_shared>> -> memref<10240x128xf32, #tpu.memory_space<vmem_shared>>
    tpu.wait_indirect_dma semaphore(%arg17 : memref<!tpu.dma_semaphore, #tpu.memory_space<semaphore_mem>>) src(%arg12 : memref<128x128xf32, #tpu.memory_space<vmem>>) dst(%dma_wait3A_186 : memref<10240x128xf32, #tpu.memory_space<vmem_shared>>)
    "tpu.trace_stop"() : () -> ()
    %barrier3A_187 = arith.constant 0 : index
    tpu.barrier barrier_id(%barrier3A_187)
    "tpu.trace_start"() <{level = 10 : i32, message = "wsum"}> : () -> ()
    %add3A_188 = arith.constant 0 : i32
    %add3A_189 = arith.addi %mul3A_2, %add3A_188 : i32
    %multiple_of3A_190 = tpu.assume_multiple %add3A_189, 8 : i32
    %add3A_191 = arith.constant 0 : i32
    %add3A_192 = arith.addi %add3A_5, %add3A_191 : i32
    %multiple_of3A_193 = tpu.assume_multiple %add3A_192, 8 : i32
    %dma_start3A_194 = arith.constant 0 : i32
    %dma_start3A_195 = tpu.memref_slice %arg13[%multiple_of3A_190, %dma_start3A_194] : memref<10240x128xf32, #tpu.memory_space<vmem_shared>> -> memref<128x128xf32, #tpu.memory_space<vmem_shared>>
    %dma_start3A_196 = arith.constant 0 : i32
    %dma_start3A_197 = tpu.memref_slice %arg13[%multiple_of3A_190, %dma_start3A_196] : memref<10240x128xf32, #tpu.memory_space<vmem_shared>> -> memref<128x128xf32, #tpu.memory_space<vmem_shared>>
    tpu.enqueue_dma source(%dma_start3A_197 : memref<128x128xf32, #tpu.memory_space<vmem_shared>>) target(%arg11 : memref<128x128xf32, #tpu.memory_space<vmem>>) target_semaphore(%arg14 : memref<!tpu.dma_semaphore, #tpu.memory_space<semaphore_mem>>)
    %dma_wait3A_198 = arith.constant 0 : i32
    %dma_wait3A_199 = tpu.memref_slice %arg13[%mul3A_2, %dma_wait3A_198] : memref<10240x128xf32, #tpu.memory_space<vmem_shared>> -> memref<128x128xf32, #tpu.memory_space<vmem_shared>>
    %dma_wait3A_200 = arith.constant 0 : i32
    %dma_wait3A_201 = tpu.memref_slice %arg13[%mul3A_2, %dma_wait3A_200] : memref<10240x128xf32, #tpu.memory_space<vmem_shared>> -> memref<128x128xf32, #tpu.memory_space<vmem_shared>>
    tpu.wait_dma2 semaphore(%arg14 : memref<!tpu.dma_semaphore, #tpu.memory_space<semaphore_mem>>) src(%dma_wait3A_201 : memref<128x128xf32, #tpu.memory_space<vmem_shared>>) dst(%arg11 : memref<128x128xf32, #tpu.memory_space<vmem>>)
    %dma_start3A_202 = arith.constant 0 : i32
    %dma_start3A_203 = tpu.memref_slice %arg7[%multiple_of3A_193, %dma_start3A_202] : memref<20480x128xf32, #tpu.memory_space<hbm>> -> memref<128x128xf32, #tpu.memory_space<hbm>>
    %dma_start3A_204 = arith.constant 0 : i32
    %dma_start3A_205 = tpu.memref_slice %arg7[%multiple_of3A_193, %dma_start3A_204] : memref<20480x128xf32, #tpu.memory_space<hbm>> -> memref<128x128xf32, #tpu.memory_space<hbm>>
    tpu.enqueue_dma source(%arg11 : memref<128x128xf32, #tpu.memory_space<vmem>>) target(%dma_start3A_205 : memref<128x128xf32, #tpu.memory_space<hbm>>) target_semaphore(%arg16 : memref<!tpu.dma_semaphore, #tpu.memory_space<semaphore_mem>>)
    %add3A_206 = arith.constant 128 : i32
    %add3A_207 = arith.addi %mul3A_2, %add3A_206 : i32
    %multiple_of3A_208 = tpu.assume_multiple %add3A_207, 8 : i32
    %add3A_209 = arith.constant 128 : i32
    %add3A_210 = arith.addi %add3A_5, %add3A_209 : i32
    %multiple_of3A_211 = tpu.assume_multiple %add3A_210, 8 : i32
    %dma_start3A_212 = arith.constant 0 : i32
    %dma_start3A_213 = tpu.memref_slice %arg13[%multiple_of3A_208, %dma_start3A_212] : memref<10240x128xf32, #tpu.memory_space<vmem_shared>> -> memref<128x128xf32, #tpu.memory_space<vmem_shared>>
    %dma_start3A_214 = arith.constant 0 : i32
    %dma_start3A_215 = tpu.memref_slice %arg13[%multiple_of3A_208, %dma_start3A_214] : memref<10240x128xf32, #tpu.memory_space<vmem_shared>> -> memref<128x128xf32, #tpu.memory_space<vmem_shared>>
    tpu.enqueue_dma source(%dma_start3A_215 : memref<128x128xf32, #tpu.memory_space<vmem_shared>>) target(%arg12 : memref<128x128xf32, #tpu.memory_space<vmem>>) target_semaphore(%arg15 : memref<!tpu.dma_semaphore, #tpu.memory_space<semaphore_mem>>)
    %dma_wait3A_216 = arith.constant 0 : i32
    %dma_wait3A_217 = tpu.memref_slice %arg13[%mul3A_2, %dma_wait3A_216] : memref<10240x128xf32, #tpu.memory_space<vmem_shared>> -> memref<128x128xf32, #tpu.memory_space<vmem_shared>>
    %dma_wait3A_218 = arith.constant 0 : i32
    %dma_wait3A_219 = tpu.memref_slice %arg13[%mul3A_2, %dma_wait3A_218] : memref<10240x128xf32, #tpu.memory_space<vmem_shared>> -> memref<128x128xf32, #tpu.memory_space<vmem_shared>>
    tpu.wait_dma2 semaphore(%arg15 : memref<!tpu.dma_semaphore, #tpu.memory_space<semaphore_mem>>) src(%dma_wait3A_219 : memref<128x128xf32, #tpu.memory_space<vmem_shared>>) dst(%arg12 : memref<128x128xf32, #tpu.memory_space<vmem>>)
    %dma_start3A_220 = arith.constant 0 : i32
    %dma_start3A_221 = tpu.memref_slice %arg7[%multiple_of3A_211, %dma_start3A_220] : memref<20480x128xf32, #tpu.memory_space<hbm>> -> memref<128x128xf32, #tpu.memory_space<hbm>>
    %dma_start3A_222 = arith.constant 0 : i32
    %dma_start3A_223 = tpu.memref_slice %arg7[%multiple_of3A_211, %dma_start3A_222] : memref<20480x128xf32, #tpu.memory_space<hbm>> -> memref<128x128xf32, #tpu.memory_space<hbm>>
    tpu.enqueue_dma source(%arg12 : memref<128x128xf32, #tpu.memory_space<vmem>>) target(%dma_start3A_223 : memref<128x128xf32, #tpu.memory_space<hbm>>) target_semaphore(%arg17 : memref<!tpu.dma_semaphore, #tpu.memory_space<semaphore_mem>>)
    %add3A_224 = arith.constant 256 : i32
    %add3A_225 = arith.addi %mul3A_2, %add3A_224 : i32
    %multiple_of3A_226 = tpu.assume_multiple %add3A_225, 8 : i32
    %add3A_227 = arith.constant 256 : i32
    %add3A_228 = arith.addi %add3A_5, %add3A_227 : i32
    %multiple_of3A_229 = tpu.assume_multiple %add3A_228, 8 : i32
    %dma_wait3A_230 = arith.constant 0 : i32
    %dma_wait3A_231 = tpu.memref_slice %arg7[%add3A_5, %dma_wait3A_230] : memref<20480x128xf32, #tpu.memory_space<hbm>> -> memref<128x128xf32, #tpu.memory_space<hbm>>
    %dma_wait3A_232 = arith.constant 0 : i32
    %dma_wait3A_233 = tpu.memref_slice %arg7[%add3A_5, %dma_wait3A_232] : memref<20480x128xf32, #tpu.memory_space<hbm>> -> memref<128x128xf32, #tpu.memory_space<hbm>>
    tpu.wait_dma2 semaphore(%arg16 : memref<!tpu.dma_semaphore, #tpu.memory_space<semaphore_mem>>) src(%arg11 : memref<128x128xf32, #tpu.memory_space<vmem>>) dst(%dma_wait3A_233 : memref<128x128xf32, #tpu.memory_space<hbm>>)
    %dma_start3A_234 = arith.constant 0 : i32
    %dma_start3A_235 = tpu.memref_slice %arg13[%multiple_of3A_226, %dma_start3A_234] : memref<10240x128xf32, #tpu.memory_space<vmem_shared>> -> memref<128x128xf32, #tpu.memory_space<vmem_shared>>
    %dma_start3A_236 = arith.constant 0 : i32
    %dma_start3A_237 = tpu.memref_slice %arg13[%multiple_of3A_226, %dma_start3A_236] : memref<10240x128xf32, #tpu.memory_space<vmem_shared>> -> memref<128x128xf32, #tpu.memory_space<vmem_shared>>
    tpu.enqueue_dma source(%dma_start3A_237 : memref<128x128xf32, #tpu.memory_space<vmem_shared>>) target(%arg11 : memref<128x128xf32, #tpu.memory_space<vmem>>) target_semaphore(%arg14 : memref<!tpu.dma_semaphore, #tpu.memory_space<semaphore_mem>>)
    %dma_wait3A_238 = arith.constant 0 : i32
    %dma_wait3A_239 = tpu.memref_slice %arg13[%mul3A_2, %dma_wait3A_238] : memref<10240x128xf32, #tpu.memory_space<vmem_shared>> -> memref<128x128xf32, #tpu.memory_space<vmem_shared>>
    %dma_wait3A_240 = arith.constant 0 : i32
    %dma_wait3A_241 = tpu.memref_slice %arg13[%mul3A_2, %dma_wait3A_240] : memref<10240x128xf32, #tpu.memory_space<vmem_shared>> -> memref<128x128xf32, #tpu.memory_space<vmem_shared>>
    tpu.wait_dma2 semaphore(%arg14 : memref<!tpu.dma_semaphore, #tpu.memory_space<semaphore_mem>>) src(%dma_wait3A_241 : memref<128x128xf32, #tpu.memory_space<vmem_shared>>) dst(%arg11 : memref<128x128xf32, #tpu.memory_space<vmem>>)
    %dma_start3A_242 = arith.constant 0 : i32
    %dma_start3A_243 = tpu.memref_slice %arg7[%multiple_of3A_229, %dma_start3A_242] : memref<20480x128xf32, #tpu.memory_space<hbm>> -> memref<128x128xf32, #tpu.memory_space<hbm>>
    %dma_start3A_244 = arith.constant 0 : i32
    %dma_start3A_245 = tpu.memref_slice %arg7[%multiple_of3A_229, %dma_start3A_244] : memref<20480x128xf32, #tpu.memory_space<hbm>> -> memref<128x128xf32, #tpu.memory_space<hbm>>
    tpu.enqueue_dma source(%arg11 : memref<128x128xf32, #tpu.memory_space<vmem>>) target(%dma_start3A_245 : memref<128x128xf32, #tpu.memory_space<hbm>>) target_semaphore(%arg16 : memref<!tpu.dma_semaphore, #tpu.memory_space<semaphore_mem>>)
    %add3A_246 = arith.constant 384 : i32
    %add3A_247 = arith.addi %mul3A_2, %add3A_246 : i32
    %multiple_of3A_248 = tpu.assume_multiple %add3A_247, 8 : i32
    %add3A_249 = arith.constant 384 : i32
    %add3A_250 = arith.addi %add3A_5, %add3A_249 : i32
    %multiple_of3A_251 = tpu.assume_multiple %add3A_250, 8 : i32
    %dma_wait3A_252 = arith.constant 0 : i32
    %dma_wait3A_253 = tpu.memref_slice %arg7[%add3A_5, %dma_wait3A_252] : memref<20480x128xf32, #tpu.memory_space<hbm>> -> memref<128x128xf32, #tpu.memory_space<hbm>>
    %dma_wait3A_254 = arith.constant 0 : i32
    %dma_wait3A_255 = tpu.memref_slice %arg7[%add3A_5, %dma_wait3A_254] : memref<20480x128xf32, #tpu.memory_space<hbm>> -> memref<128x128xf32, #tpu.memory_space<hbm>>
    tpu.wait_dma2 semaphore(%arg17 : memref<!tpu.dma_semaphore, #tpu.memory_space<semaphore_mem>>) src(%arg12 : memref<128x128xf32, #tpu.memory_space<vmem>>) dst(%dma_wait3A_255 : memref<128x128xf32, #tpu.memory_space<hbm>>)
    %dma_start3A_256 = arith.constant 0 : i32
    %dma_start3A_257 = tpu.memref_slice %arg13[%multiple_of3A_248, %dma_start3A_256] : memref<10240x128xf32, #tpu.memory_space<vmem_shared>> -> memref<128x128xf32, #tpu.memory_space<vmem_shared>>
    %dma_start3A_258 = arith.constant 0 : i32
    %dma_start3A_259 = tpu.memref_slice %arg13[%multiple_of3A_248, %dma_start3A_258] : memref<10240x128xf32, #tpu.memory_space<vmem_shared>> -> memref<128x128xf32, #tpu.memory_space<vmem_shared>>
    tpu.enqueue_dma source(%dma_start3A_259 : memref<128x128xf32, #tpu.memory_space<vmem_shared>>) target(%arg12 : memref<128x128xf32, #tpu.memory_space<vmem>>) target_semaphore(%arg15 : memref<!tpu.dma_semaphore, #tpu.memory_space<semaphore_mem>>)
    %dma_wait3A_260 = arith.constant 0 : i32
    %dma_wait3A_261 = tpu.memref_slice %arg13[%mul3A_2, %dma_wait3A_260] : memref<10240x128xf32, #tpu.memory_space<vmem_shared>> -> memref<128x128xf32, #tpu.memory_space<vmem_shared>>
    %dma_wait3A_262 = arith.constant 0 : i32
    %dma_wait3A_263 = tpu.memref_slice %arg13[%mul3A_2, %dma_wait3A_262] : memref<10240x128xf32, #tpu.memory_space<vmem_shared>> -> memref<128x128xf32, #tpu.memory_space<vmem_shared>>
    tpu.wait_dma2 semaphore(%arg15 : memref<!tpu.dma_semaphore, #tpu.memory_space<semaphore_mem>>) src(%dma_wait3A_263 : memref<128x128xf32, #tpu.memory_space<vmem_shared>>) dst(%arg12 : memref<128x128xf32, #tpu.memory_space<vmem>>)
    %dma_start3A_264 = arith.constant 0 : i32
    %dma_start3A_265 = tpu.memref_slice %arg7[%multiple_of3A_251, %dma_start3A_264] : memref<20480x128xf32, #tpu.memory_space<hbm>> -> memref<128x128xf32, #tpu.memory_space<hbm>>
    %dma_start3A_266 = arith.constant 0 : i32
    %dma_start3A_267 = tpu.memref_slice %arg7[%multiple_of3A_251, %dma_start3A_266] : memref<20480x128xf32, #tpu.memory_space<hbm>> -> memref<128x128xf32, #tpu.memory_space<hbm>>
    tpu.enqueue_dma source(%arg12 : memref<128x128xf32, #tpu.memory_space<vmem>>) target(%dma_start3A_267 : memref<128x128xf32, #tpu.memory_space<hbm>>) target_semaphore(%arg17 : memref<!tpu.dma_semaphore, #tpu.memory_space<semaphore_mem>>)
    %add3A_268 = arith.constant 512 : i32
    %add3A_269 = arith.addi %mul3A_2, %add3A_268 : i32
    %multiple_of3A_270 = tpu.assume_multiple %add3A_269, 8 : i32
    %add3A_271 = arith.constant 512 : i32
    %add3A_272 = arith.addi %add3A_5, %add3A_271 : i32
    %multiple_of3A_273 = tpu.assume_multiple %add3A_272, 8 : i32
    %dma_wait3A_274 = arith.constant 0 : i32
    %dma_wait3A_275 = tpu.memref_slice %arg7[%add3A_5, %dma_wait3A_274] : memref<20480x128xf32, #tpu.memory_space<hbm>> -> memref<128x128xf32, #tpu.memory_space<hbm>>
    %dma_wait3A_276 = arith.constant 0 : i32
    %dma_wait3A_277 = tpu.memref_slice %arg7[%add3A_5, %dma_wait3A_276] : memref<20480x128xf32, #tpu.memory_space<hbm>> -> memref<128x128xf32, #tpu.memory_space<hbm>>
    tpu.wait_dma2 semaphore(%arg16 : memref<!tpu.dma_semaphore, #tpu.memory_space<semaphore_mem>>) src(%arg11 : memref<128x128xf32, #tpu.memory_space<vmem>>) dst(%dma_wait3A_277 : memref<128x128xf32, #tpu.memory_space<hbm>>)
    %dma_start3A_278 = arith.constant 0 : i32
    %dma_start3A_279 = tpu.memref_slice %arg13[%multiple_of3A_270, %dma_start3A_278] : memref<10240x128xf32, #tpu.memory_space<vmem_shared>> -> memref<128x128xf32, #tpu.memory_space<vmem_shared>>
    %dma_start3A_280 = arith.constant 0 : i32
    %dma_start3A_281 = tpu.memref_slice %arg13[%multiple_of3A_270, %dma_start3A_280] : memref<10240x128xf32, #tpu.memory_space<vmem_shared>> -> memref<128x128xf32, #tpu.memory_space<vmem_shared>>
    tpu.enqueue_dma source(%dma_start3A_281 : memref<128x128xf32, #tpu.memory_space<vmem_shared>>) target(%arg11 : memref<128x128xf32, #tpu.memory_space<vmem>>) target_semaphore(%arg14 : memref<!tpu.dma_semaphore, #tpu.memory_space<semaphore_mem>>)
    %dma_wait3A_282 = arith.constant 0 : i32
    %dma_wait3A_283 = tpu.memref_slice %arg13[%mul3A_2, %dma_wait3A_282] : memref<10240x128xf32, #tpu.memory_space<vmem_shared>> -> memref<128x128xf32, #tpu.memory_space<vmem_shared>>
    %dma_wait3A_284 = arith.constant 0 : i32
    %dma_wait3A_285 = tpu.memref_slice %arg13[%mul3A_2, %dma_wait3A_284] : memref<10240x128xf32, #tpu.memory_space<vmem_shared>> -> memref<128x128xf32, #tpu.memory_space<vmem_shared>>
    tpu.wait_dma2 semaphore(%arg14 : memref<!tpu.dma_semaphore, #tpu.memory_space<semaphore_mem>>) src(%dma_wait3A_285 : memref<128x128xf32, #tpu.memory_space<vmem_shared>>) dst(%arg11 : memref<128x128xf32, #tpu.memory_space<vmem>>)
    %dma_start3A_286 = arith.constant 0 : i32
    %dma_start3A_287 = tpu.memref_slice %arg7[%multiple_of3A_273, %dma_start3A_286] : memref<20480x128xf32, #tpu.memory_space<hbm>> -> memref<128x128xf32, #tpu.memory_space<hbm>>
    %dma_start3A_288 = arith.constant 0 : i32
    %dma_start3A_289 = tpu.memref_slice %arg7[%multiple_of3A_273, %dma_start3A_288] : memref<20480x128xf32, #tpu.memory_space<hbm>> -> memref<128x128xf32, #tpu.memory_space<hbm>>
    tpu.enqueue_dma source(%arg11 : memref<128x128xf32, #tpu.memory_space<vmem>>) target(%dma_start3A_289 : memref<128x128xf32, #tpu.memory_space<hbm>>) target_semaphore(%arg16 : memref<!tpu.dma_semaphore, #tpu.memory_space<semaphore_mem>>)
    %dma_wait3A_290 = arith.constant 0 : i32
    %dma_wait3A_291 = tpu.memref_slice %arg7[%add3A_5, %dma_wait3A_290] : memref<20480x128xf32, #tpu.memory_space<hbm>> -> memref<128x128xf32, #tpu.memory_space<hbm>>
    %dma_wait3A_292 = arith.constant 0 : i32
    %dma_wait3A_293 = tpu.memref_slice %arg7[%add3A_5, %dma_wait3A_292] : memref<20480x128xf32, #tpu.memory_space<hbm>> -> memref<128x128xf32, #tpu.memory_space<hbm>>
    tpu.wait_dma2 semaphore(%arg17 : memref<!tpu.dma_semaphore, #tpu.memory_space<semaphore_mem>>) src(%arg12 : memref<128x128xf32, #tpu.memory_space<vmem>>) dst(%dma_wait3A_293 : memref<128x128xf32, #tpu.memory_space<hbm>>)
    %dma_wait3A_294 = arith.constant 0 : i32
    %dma_wait3A_295 = tpu.memref_slice %arg7[%add3A_5, %dma_wait3A_294] : memref<20480x128xf32, #tpu.memory_space<hbm>> -> memref<128x128xf32, #tpu.memory_space<hbm>>
    %dma_wait3A_296 = arith.constant 0 : i32
    %dma_wait3A_297 = tpu.memref_slice %arg7[%add3A_5, %dma_wait3A_296] : memref<20480x128xf32, #tpu.memory_space<hbm>> -> memref<128x128xf32, #tpu.memory_space<hbm>>
    tpu.wait_dma2 semaphore(%arg16 : memref<!tpu.dma_semaphore, #tpu.memory_space<semaphore_mem>>) src(%arg11 : memref<128x128xf32, #tpu.memory_space<vmem>>) dst(%dma_wait3A_297 : memref<128x128xf32, #tpu.memory_space<hbm>>)
    "tpu.trace_stop"() : () -> ()
    %mul3A_298 = arith.constant 128 : i32
    %mul3A_299 = arith.muli %add3A, %mul3A_298 : i32
    "tpu.region"() ({
      %run_scoped3A = tpu.sem_alloc : memref<!tpu.dma_semaphore, #tpu.memory_space<semaphore_mem>>
      %dma_start3A_460 = arith.constant 0 : i32
      %dma_start3A_461 = tpu.memref_slice %arg6[%mul3A_299, %dma_start3A_460] : memref<4096x128xf32, #tpu.memory_space<hbm>> -> memref<128x128xf32, #tpu.memory_space<hbm>>
      %dma_start3A_462 = arith.constant 0 : i32
      %dma_start3A_463 = tpu.memref_slice %arg6[%mul3A_299, %dma_start3A_462] : memref<4096x128xf32, #tpu.memory_space<hbm>> -> memref<128x128xf32, #tpu.memory_space<hbm>>
      tpu.enqueue_dma source(%dma_start3A_463 : memref<128x128xf32, #tpu.memory_space<hbm>>) target(%arg11 : memref<128x128xf32, #tpu.memory_space<vmem>>) target_semaphore(%run_scoped3A : memref<!tpu.dma_semaphore, #tpu.memory_space<semaphore_mem>>)
      %dma_wait3A_464 = arith.constant 0 : i32
      %dma_wait3A_465 = tpu.memref_slice %arg6[%mul3A_299, %dma_wait3A_464] : memref<4096x128xf32, #tpu.memory_space<hbm>> -> memref<128x128xf32, #tpu.memory_space<hbm>>
      %dma_wait3A_466 = arith.constant 0 : i32
      %dma_wait3A_467 = tpu.memref_slice %arg6[%mul3A_299, %dma_wait3A_466] : memref<4096x128xf32, #tpu.memory_space<hbm>> -> memref<128x128xf32, #tpu.memory_space<hbm>>
      tpu.wait_dma2 semaphore(%run_scoped3A : memref<!tpu.dma_semaphore, #tpu.memory_space<semaphore_mem>>) src(%dma_wait3A_467 : memref<128x128xf32, #tpu.memory_space<hbm>>) dst(%arg11 : memref<128x128xf32, #tpu.memory_space<vmem>>)
      tpu.yield
    }) : () -> ()
    %barrier3A_300 = arith.constant 0 : index
    tpu.barrier barrier_id(%barrier3A_300)
    %mul3A_301 = arith.constant 80 : i32
    %mul3A_302 = arith.muli %add3A, %mul3A_301 : i32
    %add3A_303 = arith.constant 0 : i32
    %add3A_304 = arith.addi %mul3A_302, %add3A_303 : i32
    "tpu.region"() ({
      %run_scoped3A = tpu.sem_alloc : memref<!tpu.dma_semaphore, #tpu.memory_space<semaphore_mem>>
      %dma_start3A_460 = arith.constant 0 : i32
      %dma_start3A_461 = tpu.memref_slice %arg3[%add3A_304, %dma_start3A_460] : memref<2560x128xi32, #tpu.memory_space<hbm>> -> memref<40x128xi32, #tpu.memory_space<hbm>>
      %dma_start3A_462 = arith.constant 0 : i32
      %dma_start3A_463 = tpu.memref_slice %arg3[%add3A_304, %dma_start3A_462] : memref<2560x128xi32, #tpu.memory_space<hbm>> -> memref<40x128xi32, #tpu.memory_space<hbm>>
      tpu.enqueue_dma source(%dma_start3A_463 : memref<40x128xi32, #tpu.memory_space<hbm>>) target(%arg10 : memref<40x128xi32, #tpu.memory_space<vmem>>) target_semaphore(%run_scoped3A : memref<!tpu.dma_semaphore, #tpu.memory_space<semaphore_mem>>)
      %dma_wait3A_464 = arith.constant 0 : i32
      %dma_wait3A_465 = tpu.memref_slice %arg3[%add3A_304, %dma_wait3A_464] : memref<2560x128xi32, #tpu.memory_space<hbm>> -> memref<40x128xi32, #tpu.memory_space<hbm>>
      %dma_wait3A_466 = arith.constant 0 : i32
      %dma_wait3A_467 = tpu.memref_slice %arg3[%add3A_304, %dma_wait3A_466] : memref<2560x128xi32, #tpu.memory_space<hbm>> -> memref<40x128xi32, #tpu.memory_space<hbm>>
      tpu.wait_dma2 semaphore(%run_scoped3A : memref<!tpu.dma_semaphore, #tpu.memory_space<semaphore_mem>>) src(%dma_wait3A_467 : memref<40x128xi32, #tpu.memory_space<hbm>>) dst(%arg10 : memref<40x128xi32, #tpu.memory_space<vmem>>)
      tpu.yield
    }) : () -> ()
    "tpu.trace_start"() <{level = 10 : i32, message = "p2loop"}> : () -> ()
    %scan3A_305 = arith.constant 0 : i32
    %scan3A_306 = arith.constant 0 : i32
    %scan3A_307 = arith.constant 20 : i32
    %scan3A_308 = arith.addi %scan3A_306, %scan3A_307 : i32
    %scan3A_309 = arith.constant 1 : i32
    scf.for %scan3A_460 = %scan3A_306 to %scan3A_308 step %scan3A_309  : i32 {
      %mul3A_461 = arith.constant 2 : i32
      %mul3A_462 = arith.muli %scan3A_460, %mul3A_461 : i32
      %add3A_463 = arith.constant 1 : i32
      %add3A_464 = arith.addi %mul3A_462, %add3A_463 : i32
      %gt3A = arith.constant 0 : i32
      %gt3A_465 = arith.cmpi sgt, %scan3A_460, %gt3A : i32
      %convert_element_type3A = arith.extui %gt3A_465 : i1 to i32
      %cond3A = arith.constant 0 : i32
      %cond3A_466 = arith.cmpi ne, %convert_element_type3A, %cond3A : i32
      scf.if %cond3A_466 {
        %dma_wait3A_484 = arith.constant 0 : i32
        %dma_wait3A_485 = arith.constant 0 : i32
        %dma_wait3A_486 = tpu.memref_slice %arg10[%dma_wait3A_484, %dma_wait3A_485] : memref<40x128xi32, #tpu.memory_space<vmem>> -> memref<1x128xi32, #tpu.memory_space<vmem>>
        %dma_wait3A_487 = tpu.memref_squeeze %dma_wait3A_486 : memref<1x128xi32, #tpu.memory_space<vmem>> -> memref<128xi32, #tpu.memory_space<vmem>>
        %dma_wait3A_488 = arith.constant 0 : i32
        %dma_wait3A_489 = arith.constant 0 : i32
        %dma_wait3A_490 = tpu.memref_slice %arg13[%dma_wait3A_488, %dma_wait3A_489] : memref<10240x128xf32, #tpu.memory_space<vmem_shared>> -> memref<10240x128xf32, #tpu.memory_space<vmem_shared>>
        tpu.wait_indirect_dma semaphore(%arg16 : memref<!tpu.dma_semaphore, #tpu.memory_space<semaphore_mem>>) src(%arg11 : memref<128x128xf32, #tpu.memory_space<vmem>>) dst(%dma_wait3A_490 : memref<10240x128xf32, #tpu.memory_space<vmem_shared>>)
      } else {
      }
      %dma_start3A_467 = arith.constant 0 : i32
      %dma_start3A_468 = tpu.memref_slice %arg10[%mul3A_462, %dma_start3A_467] : memref<40x128xi32, #tpu.memory_space<vmem>> -> memref<1x128xi32, #tpu.memory_space<vmem>>
      %dma_start3A_469 = tpu.memref_squeeze %dma_start3A_468 : memref<1x128xi32, #tpu.memory_space<vmem>> -> memref<128xi32, #tpu.memory_space<vmem>>
      %dma_start3A_470 = arith.constant 0 : i32
      %dma_start3A_471 = arith.constant 0 : i32
      %dma_start3A_472 = tpu.memref_slice %arg13[%dma_start3A_470, %dma_start3A_471] : memref<10240x128xf32, #tpu.memory_space<vmem_shared>> -> memref<10240x128xf32, #tpu.memory_space<vmem_shared>>
      tpu.enqueue_indirect_dma source(%arg11 : memref<128x128xf32, #tpu.memory_space<vmem>>) target(%dma_start3A_472 : memref<10240x128xf32, #tpu.memory_space<vmem_shared>>) offsets(%dma_start3A_469 : memref<128xi32, #tpu.memory_space<vmem>>) semaphore(%arg16 : memref<!tpu.dma_semaphore, #tpu.memory_space<semaphore_mem>>) {add = true}
      %gt3A_473 = arith.constant 0 : i32
      %gt3A_474 = arith.cmpi sgt, %scan3A_460, %gt3A_473 : i32
      %convert_element_type3A_475 = arith.extui %gt3A_474 : i1 to i32
      %cond3A_476 = arith.constant 0 : i32
      %cond3A_477 = arith.cmpi ne, %convert_element_type3A_475, %cond3A_476 : i32
      scf.if %cond3A_477 {
        %dma_wait3A_484 = arith.constant 0 : i32
        %dma_wait3A_485 = arith.constant 0 : i32
        %dma_wait3A_486 = tpu.memref_slice %arg10[%dma_wait3A_484, %dma_wait3A_485] : memref<40x128xi32, #tpu.memory_space<vmem>> -> memref<1x128xi32, #tpu.memory_space<vmem>>
        %dma_wait3A_487 = tpu.memref_squeeze %dma_wait3A_486 : memref<1x128xi32, #tpu.memory_space<vmem>> -> memref<128xi32, #tpu.memory_space<vmem>>
        %dma_wait3A_488 = arith.constant 0 : i32
        %dma_wait3A_489 = arith.constant 0 : i32
        %dma_wait3A_490 = tpu.memref_slice %arg13[%dma_wait3A_488, %dma_wait3A_489] : memref<10240x128xf32, #tpu.memory_space<vmem_shared>> -> memref<10240x128xf32, #tpu.memory_space<vmem_shared>>
        tpu.wait_indirect_dma semaphore(%arg17 : memref<!tpu.dma_semaphore, #tpu.memory_space<semaphore_mem>>) src(%arg11 : memref<128x128xf32, #tpu.memory_space<vmem>>) dst(%dma_wait3A_490 : memref<10240x128xf32, #tpu.memory_space<vmem_shared>>)
      } else {
      }
      %dma_start3A_478 = arith.constant 0 : i32
      %dma_start3A_479 = tpu.memref_slice %arg10[%add3A_464, %dma_start3A_478] : memref<40x128xi32, #tpu.memory_space<vmem>> -> memref<1x128xi32, #tpu.memory_space<vmem>>
      %dma_start3A_480 = tpu.memref_squeeze %dma_start3A_479 : memref<1x128xi32, #tpu.memory_space<vmem>> -> memref<128xi32, #tpu.memory_space<vmem>>
      %dma_start3A_481 = arith.constant 0 : i32
      %dma_start3A_482 = arith.constant 0 : i32
      %dma_start3A_483 = tpu.memref_slice %arg13[%dma_start3A_481, %dma_start3A_482] : memref<10240x128xf32, #tpu.memory_space<vmem_shared>> -> memref<10240x128xf32, #tpu.memory_space<vmem_shared>>
      tpu.enqueue_indirect_dma source(%arg11 : memref<128x128xf32, #tpu.memory_space<vmem>>) target(%dma_start3A_483 : memref<10240x128xf32, #tpu.memory_space<vmem_shared>>) offsets(%dma_start3A_480 : memref<128xi32, #tpu.memory_space<vmem>>) semaphore(%arg17 : memref<!tpu.dma_semaphore, #tpu.memory_space<semaphore_mem>>) {add = true}
    }
    %scan3A_310 = arith.constant 20 : i32
    %dma_wait3A_311 = arith.constant 0 : i32
    %dma_wait3A_312 = arith.constant 0 : i32
    %dma_wait3A_313 = tpu.memref_slice %arg10[%dma_wait3A_311, %dma_wait3A_312] : memref<40x128xi32, #tpu.memory_space<vmem>> -> memref<1x128xi32, #tpu.memory_space<vmem>>
    %dma_wait3A_314 = tpu.memref_squeeze %dma_wait3A_313 : memref<1x128xi32, #tpu.memory_space<vmem>> -> memref<128xi32, #tpu.memory_space<vmem>>
    %dma_wait3A_315 = arith.constant 0 : i32
    %dma_wait3A_316 = arith.constant 0 : i32
    %dma_wait3A_317 = tpu.memref_slice %arg13[%dma_wait3A_315, %dma_wait3A_316] : memref<10240x128xf32, #tpu.memory_space<vmem_shared>> -> memref<10240x128xf32, #tpu.memory_space<vmem_shared>>
    tpu.wait_indirect_dma semaphore(%arg16 : memref<!tpu.dma_semaphore, #tpu.memory_space<semaphore_mem>>) src(%arg11 : memref<128x128xf32, #tpu.memory_space<vmem>>) dst(%dma_wait3A_317 : memref<10240x128xf32, #tpu.memory_space<vmem_shared>>)
    %dma_wait3A_318 = arith.constant 0 : i32
    %dma_wait3A_319 = arith.constant 0 : i32
    %dma_wait3A_320 = tpu.memref_slice %arg10[%dma_wait3A_318, %dma_wait3A_319] : memref<40x128xi32, #tpu.memory_space<vmem>> -> memref<1x128xi32, #tpu.memory_space<vmem>>
    %dma_wait3A_321 = tpu.memref_squeeze %dma_wait3A_320 : memref<1x128xi32, #tpu.memory_space<vmem>> -> memref<128xi32, #tpu.memory_space<vmem>>
    %dma_wait3A_322 = arith.constant 0 : i32
    %dma_wait3A_323 = arith.constant 0 : i32
    %dma_wait3A_324 = tpu.memref_slice %arg13[%dma_wait3A_322, %dma_wait3A_323] : memref<10240x128xf32, #tpu.memory_space<vmem_shared>> -> memref<10240x128xf32, #tpu.memory_space<vmem_shared>>
    tpu.wait_indirect_dma semaphore(%arg17 : memref<!tpu.dma_semaphore, #tpu.memory_space<semaphore_mem>>) src(%arg11 : memref<128x128xf32, #tpu.memory_space<vmem>>) dst(%dma_wait3A_324 : memref<10240x128xf32, #tpu.memory_space<vmem_shared>>)
    "tpu.trace_stop"() : () -> ()
    %mul3A_325 = arith.constant 80 : i32
    %mul3A_326 = arith.muli %add3A, %mul3A_325 : i32
    %add3A_327 = arith.constant 40 : i32
    %add3A_328 = arith.addi %mul3A_326, %add3A_327 : i32
    "tpu.region"() ({
      %run_scoped3A = tpu.sem_alloc : memref<!tpu.dma_semaphore, #tpu.memory_space<semaphore_mem>>
      %dma_start3A_460 = arith.constant 0 : i32
      %dma_start3A_461 = tpu.memref_slice %arg3[%add3A_328, %dma_start3A_460] : memref<2560x128xi32, #tpu.memory_space<hbm>> -> memref<40x128xi32, #tpu.memory_space<hbm>>
      %dma_start3A_462 = arith.constant 0 : i32
      %dma_start3A_463 = tpu.memref_slice %arg3[%add3A_328, %dma_start3A_462] : memref<2560x128xi32, #tpu.memory_space<hbm>> -> memref<40x128xi32, #tpu.memory_space<hbm>>
      tpu.enqueue_dma source(%dma_start3A_463 : memref<40x128xi32, #tpu.memory_space<hbm>>) target(%arg10 : memref<40x128xi32, #tpu.memory_space<vmem>>) target_semaphore(%run_scoped3A : memref<!tpu.dma_semaphore, #tpu.memory_space<semaphore_mem>>)
      %dma_wait3A_464 = arith.constant 0 : i32
      %dma_wait3A_465 = tpu.memref_slice %arg3[%add3A_328, %dma_wait3A_464] : memref<2560x128xi32, #tpu.memory_space<hbm>> -> memref<40x128xi32, #tpu.memory_space<hbm>>
      %dma_wait3A_466 = arith.constant 0 : i32
      %dma_wait3A_467 = tpu.memref_slice %arg3[%add3A_328, %dma_wait3A_466] : memref<2560x128xi32, #tpu.memory_space<hbm>> -> memref<40x128xi32, #tpu.memory_space<hbm>>
      tpu.wait_dma2 semaphore(%run_scoped3A : memref<!tpu.dma_semaphore, #tpu.memory_space<semaphore_mem>>) src(%dma_wait3A_467 : memref<40x128xi32, #tpu.memory_space<hbm>>) dst(%arg10 : memref<40x128xi32, #tpu.memory_space<vmem>>)
      tpu.yield
    }) : () -> ()
    "tpu.trace_start"() <{level = 10 : i32, message = "p2loop"}> : () -> ()
    %scan3A_329 = arith.constant 0 : i32
    %scan3A_330 = arith.constant 0 : i32
    %scan3A_331 = arith.constant 20 : i32
    %scan3A_332 = arith.addi %scan3A_330, %scan3A_331 : i32
    %scan3A_333 = arith.constant 1 : i32
    scf.for %scan3A_460 = %scan3A_330 to %scan3A_332 step %scan3A_333  : i32 {
      %mul3A_461 = arith.constant 2 : i32
      %mul3A_462 = arith.muli %scan3A_460, %mul3A_461 : i32
      %add3A_463 = arith.constant 1 : i32
      %add3A_464 = arith.addi %mul3A_462, %add3A_463 : i32
      %gt3A = arith.constant 0 : i32
      %gt3A_465 = arith.cmpi sgt, %scan3A_460, %gt3A : i32
      %convert_element_type3A = arith.extui %gt3A_465 : i1 to i32
      %cond3A = arith.constant 0 : i32
      %cond3A_466 = arith.cmpi ne, %convert_element_type3A, %cond3A : i32
      scf.if %cond3A_466 {
        %dma_wait3A_484 = arith.constant 0 : i32
        %dma_wait3A_485 = arith.constant 0 : i32
        %dma_wait3A_486 = tpu.memref_slice %arg10[%dma_wait3A_484, %dma_wait3A_485] : memref<40x128xi32, #tpu.memory_space<vmem>> -> memref<1x128xi32, #tpu.memory_space<vmem>>
        %dma_wait3A_487 = tpu.memref_squeeze %dma_wait3A_486 : memref<1x128xi32, #tpu.memory_space<vmem>> -> memref<128xi32, #tpu.memory_space<vmem>>
        %dma_wait3A_488 = arith.constant 0 : i32
        %dma_wait3A_489 = arith.constant 0 : i32
        %dma_wait3A_490 = tpu.memref_slice %arg13[%dma_wait3A_488, %dma_wait3A_489] : memref<10240x128xf32, #tpu.memory_space<vmem_shared>> -> memref<10240x128xf32, #tpu.memory_space<vmem_shared>>
        tpu.wait_indirect_dma semaphore(%arg16 : memref<!tpu.dma_semaphore, #tpu.memory_space<semaphore_mem>>) src(%arg11 : memref<128x128xf32, #tpu.memory_space<vmem>>) dst(%dma_wait3A_490 : memref<10240x128xf32, #tpu.memory_space<vmem_shared>>)
      } else {
      }
      %dma_start3A_467 = arith.constant 0 : i32
      %dma_start3A_468 = tpu.memref_slice %arg10[%mul3A_462, %dma_start3A_467] : memref<40x128xi32, #tpu.memory_space<vmem>> -> memref<1x128xi32, #tpu.memory_space<vmem>>
      %dma_start3A_469 = tpu.memref_squeeze %dma_start3A_468 : memref<1x128xi32, #tpu.memory_space<vmem>> -> memref<128xi32, #tpu.memory_space<vmem>>
      %dma_start3A_470 = arith.constant 0 : i32
      %dma_start3A_471 = arith.constant 0 : i32
      %dma_start3A_472 = tpu.memref_slice %arg13[%dma_start3A_470, %dma_start3A_471] : memref<10240x128xf32, #tpu.memory_space<vmem_shared>> -> memref<10240x128xf32, #tpu.memory_space<vmem_shared>>
      tpu.enqueue_indirect_dma source(%arg11 : memref<128x128xf32, #tpu.memory_space<vmem>>) target(%dma_start3A_472 : memref<10240x128xf32, #tpu.memory_space<vmem_shared>>) offsets(%dma_start3A_469 : memref<128xi32, #tpu.memory_space<vmem>>) semaphore(%arg16 : memref<!tpu.dma_semaphore, #tpu.memory_space<semaphore_mem>>) {add = true}
      %gt3A_473 = arith.constant 0 : i32
      %gt3A_474 = arith.cmpi sgt, %scan3A_460, %gt3A_473 : i32
      %convert_element_type3A_475 = arith.extui %gt3A_474 : i1 to i32
      %cond3A_476 = arith.constant 0 : i32
      %cond3A_477 = arith.cmpi ne, %convert_element_type3A_475, %cond3A_476 : i32
      scf.if %cond3A_477 {
        %dma_wait3A_484 = arith.constant 0 : i32
        %dma_wait3A_485 = arith.constant 0 : i32
        %dma_wait3A_486 = tpu.memref_slice %arg10[%dma_wait3A_484, %dma_wait3A_485] : memref<40x128xi32, #tpu.memory_space<vmem>> -> memref<1x128xi32, #tpu.memory_space<vmem>>
        %dma_wait3A_487 = tpu.memref_squeeze %dma_wait3A_486 : memref<1x128xi32, #tpu.memory_space<vmem>> -> memref<128xi32, #tpu.memory_space<vmem>>
        %dma_wait3A_488 = arith.constant 0 : i32
        %dma_wait3A_489 = arith.constant 0 : i32
        %dma_wait3A_490 = tpu.memref_slice %arg13[%dma_wait3A_488, %dma_wait3A_489] : memref<10240x128xf32, #tpu.memory_space<vmem_shared>> -> memref<10240x128xf32, #tpu.memory_space<vmem_shared>>
        tpu.wait_indirect_dma semaphore(%arg17 : memref<!tpu.dma_semaphore, #tpu.memory_space<semaphore_mem>>) src(%arg11 : memref<128x128xf32, #tpu.memory_space<vmem>>) dst(%dma_wait3A_490 : memref<10240x128xf32, #tpu.memory_space<vmem_shared>>)
      } else {
      }
      %dma_start3A_478 = arith.constant 0 : i32
      %dma_start3A_479 = tpu.memref_slice %arg10[%add3A_464, %dma_start3A_478] : memref<40x128xi32, #tpu.memory_space<vmem>> -> memref<1x128xi32, #tpu.memory_space<vmem>>
      %dma_start3A_480 = tpu.memref_squeeze %dma_start3A_479 : memref<1x128xi32, #tpu.memory_space<vmem>> -> memref<128xi32, #tpu.memory_space<vmem>>
      %dma_start3A_481 = arith.constant 0 : i32
      %dma_start3A_482 = arith.constant 0 : i32
      %dma_start3A_483 = tpu.memref_slice %arg13[%dma_start3A_481, %dma_start3A_482] : memref<10240x128xf32, #tpu.memory_space<vmem_shared>> -> memref<10240x128xf32, #tpu.memory_space<vmem_shared>>
      tpu.enqueue_indirect_dma source(%arg11 : memref<128x128xf32, #tpu.memory_space<vmem>>) target(%dma_start3A_483 : memref<10240x128xf32, #tpu.memory_space<vmem_shared>>) offsets(%dma_start3A_480 : memref<128xi32, #tpu.memory_space<vmem>>) semaphore(%arg17 : memref<!tpu.dma_semaphore, #tpu.memory_space<semaphore_mem>>) {add = true}
    }
    %scan3A_334 = arith.constant 20 : i32
    %dma_wait3A_335 = arith.constant 0 : i32
    %dma_wait3A_336 = arith.constant 0 : i32
    %dma_wait3A_337 = tpu.memref_slice %arg10[%dma_wait3A_335, %dma_wait3A_336] : memref<40x128xi32, #tpu.memory_space<vmem>> -> memref<1x128xi32, #tpu.memory_space<vmem>>
    %dma_wait3A_338 = tpu.memref_squeeze %dma_wait3A_337 : memref<1x128xi32, #tpu.memory_space<vmem>> -> memref<128xi32, #tpu.memory_space<vmem>>
    %dma_wait3A_339 = arith.constant 0 : i32
    %dma_wait3A_340 = arith.constant 0 : i32
    %dma_wait3A_341 = tpu.memref_slice %arg13[%dma_wait3A_339, %dma_wait3A_340] : memref<10240x128xf32, #tpu.memory_space<vmem_shared>> -> memref<10240x128xf32, #tpu.memory_space<vmem_shared>>
    tpu.wait_indirect_dma semaphore(%arg16 : memref<!tpu.dma_semaphore, #tpu.memory_space<semaphore_mem>>) src(%arg11 : memref<128x128xf32, #tpu.memory_space<vmem>>) dst(%dma_wait3A_341 : memref<10240x128xf32, #tpu.memory_space<vmem_shared>>)
    %dma_wait3A_342 = arith.constant 0 : i32
    %dma_wait3A_343 = arith.constant 0 : i32
    %dma_wait3A_344 = tpu.memref_slice %arg10[%dma_wait3A_342, %dma_wait3A_343] : memref<40x128xi32, #tpu.memory_space<vmem>> -> memref<1x128xi32, #tpu.memory_space<vmem>>
    %dma_wait3A_345 = tpu.memref_squeeze %dma_wait3A_344 : memref<1x128xi32, #tpu.memory_space<vmem>> -> memref<128xi32, #tpu.memory_space<vmem>>
    %dma_wait3A_346 = arith.constant 0 : i32
    %dma_wait3A_347 = arith.constant 0 : i32
    %dma_wait3A_348 = tpu.memref_slice %arg13[%dma_wait3A_346, %dma_wait3A_347] : memref<10240x128xf32, #tpu.memory_space<vmem_shared>> -> memref<10240x128xf32, #tpu.memory_space<vmem_shared>>
    tpu.wait_indirect_dma semaphore(%arg17 : memref<!tpu.dma_semaphore, #tpu.memory_space<semaphore_mem>>) src(%arg11 : memref<128x128xf32, #tpu.memory_space<vmem>>) dst(%dma_wait3A_348 : memref<10240x128xf32, #tpu.memory_space<vmem_shared>>)
    "tpu.trace_stop"() : () -> ()
    %barrier3A_349 = arith.constant 0 : index
    tpu.barrier barrier_id(%barrier3A_349)
    "tpu.trace_start"() <{level = 10 : i32, message = "wcnt"}> : () -> ()
    %add3A_350 = arith.constant 0 : i32
    %add3A_351 = arith.addi %mul3A_2, %add3A_350 : i32
    %multiple_of3A_352 = tpu.assume_multiple %add3A_351, 8 : i32
    %add3A_353 = arith.constant 0 : i32
    %add3A_354 = arith.addi %add3A_5, %add3A_353 : i32
    %multiple_of3A_355 = tpu.assume_multiple %add3A_354, 8 : i32
    %dma_start3A_356 = arith.constant 0 : i32
    %dma_start3A_357 = tpu.memref_slice %arg13[%multiple_of3A_352, %dma_start3A_356] : memref<10240x128xf32, #tpu.memory_space<vmem_shared>> -> memref<128x128xf32, #tpu.memory_space<vmem_shared>>
    %dma_start3A_358 = arith.constant 0 : i32
    %dma_start3A_359 = tpu.memref_slice %arg13[%multiple_of3A_352, %dma_start3A_358] : memref<10240x128xf32, #tpu.memory_space<vmem_shared>> -> memref<128x128xf32, #tpu.memory_space<vmem_shared>>
    tpu.enqueue_dma source(%dma_start3A_359 : memref<128x128xf32, #tpu.memory_space<vmem_shared>>) target(%arg11 : memref<128x128xf32, #tpu.memory_space<vmem>>) target_semaphore(%arg14 : memref<!tpu.dma_semaphore, #tpu.memory_space<semaphore_mem>>)
    %dma_wait3A_360 = arith.constant 0 : i32
    %dma_wait3A_361 = tpu.memref_slice %arg13[%mul3A_2, %dma_wait3A_360] : memref<10240x128xf32, #tpu.memory_space<vmem_shared>> -> memref<128x128xf32, #tpu.memory_space<vmem_shared>>
    %dma_wait3A_362 = arith.constant 0 : i32
    %dma_wait3A_363 = tpu.memref_slice %arg13[%mul3A_2, %dma_wait3A_362] : memref<10240x128xf32, #tpu.memory_space<vmem_shared>> -> memref<128x128xf32, #tpu.memory_space<vmem_shared>>
    tpu.wait_dma2 semaphore(%arg14 : memref<!tpu.dma_semaphore, #tpu.memory_space<semaphore_mem>>) src(%dma_wait3A_363 : memref<128x128xf32, #tpu.memory_space<vmem_shared>>) dst(%arg11 : memref<128x128xf32, #tpu.memory_space<vmem>>)
    %dma_start3A_364 = arith.constant 0 : i32
    %dma_start3A_365 = tpu.memref_slice %arg8[%multiple_of3A_355, %dma_start3A_364] : memref<20480x128xf32, #tpu.memory_space<hbm>> -> memref<128x128xf32, #tpu.memory_space<hbm>>
    %dma_start3A_366 = arith.constant 0 : i32
    %dma_start3A_367 = tpu.memref_slice %arg8[%multiple_of3A_355, %dma_start3A_366] : memref<20480x128xf32, #tpu.memory_space<hbm>> -> memref<128x128xf32, #tpu.memory_space<hbm>>
    tpu.enqueue_dma source(%arg11 : memref<128x128xf32, #tpu.memory_space<vmem>>) target(%dma_start3A_367 : memref<128x128xf32, #tpu.memory_space<hbm>>) target_semaphore(%arg16 : memref<!tpu.dma_semaphore, #tpu.memory_space<semaphore_mem>>)
    %add3A_368 = arith.constant 128 : i32
    %add3A_369 = arith.addi %mul3A_2, %add3A_368 : i32
    %multiple_of3A_370 = tpu.assume_multiple %add3A_369, 8 : i32
    %add3A_371 = arith.constant 128 : i32
    %add3A_372 = arith.addi %add3A_5, %add3A_371 : i32
    %multiple_of3A_373 = tpu.assume_multiple %add3A_372, 8 : i32
    %dma_start3A_374 = arith.constant 0 : i32
    %dma_start3A_375 = tpu.memref_slice %arg13[%multiple_of3A_370, %dma_start3A_374] : memref<10240x128xf32, #tpu.memory_space<vmem_shared>> -> memref<128x128xf32, #tpu.memory_space<vmem_shared>>
    %dma_start3A_376 = arith.constant 0 : i32
    %dma_start3A_377 = tpu.memref_slice %arg13[%multiple_of3A_370, %dma_start3A_376] : memref<10240x128xf32, #tpu.memory_space<vmem_shared>> -> memref<128x128xf32, #tpu.memory_space<vmem_shared>>
    tpu.enqueue_dma source(%dma_start3A_377 : memref<128x128xf32, #tpu.memory_space<vmem_shared>>) target(%arg12 : memref<128x128xf32, #tpu.memory_space<vmem>>) target_semaphore(%arg15 : memref<!tpu.dma_semaphore, #tpu.memory_space<semaphore_mem>>)
    %dma_wait3A_378 = arith.constant 0 : i32
    %dma_wait3A_379 = tpu.memref_slice %arg13[%mul3A_2, %dma_wait3A_378] : memref<10240x128xf32, #tpu.memory_space<vmem_shared>> -> memref<128x128xf32, #tpu.memory_space<vmem_shared>>
    %dma_wait3A_380 = arith.constant 0 : i32
    %dma_wait3A_381 = tpu.memref_slice %arg13[%mul3A_2, %dma_wait3A_380] : memref<10240x128xf32, #tpu.memory_space<vmem_shared>> -> memref<128x128xf32, #tpu.memory_space<vmem_shared>>
    tpu.wait_dma2 semaphore(%arg15 : memref<!tpu.dma_semaphore, #tpu.memory_space<semaphore_mem>>) src(%dma_wait3A_381 : memref<128x128xf32, #tpu.memory_space<vmem_shared>>) dst(%arg12 : memref<128x128xf32, #tpu.memory_space<vmem>>)
    %dma_start3A_382 = arith.constant 0 : i32
    %dma_start3A_383 = tpu.memref_slice %arg8[%multiple_of3A_373, %dma_start3A_382] : memref<20480x128xf32, #tpu.memory_space<hbm>> -> memref<128x128xf32, #tpu.memory_space<hbm>>
    %dma_start3A_384 = arith.constant 0 : i32
    %dma_start3A_385 = tpu.memref_slice %arg8[%multiple_of3A_373, %dma_start3A_384] : memref<20480x128xf32, #tpu.memory_space<hbm>> -> memref<128x128xf32, #tpu.memory_space<hbm>>
    tpu.enqueue_dma source(%arg12 : memref<128x128xf32, #tpu.memory_space<vmem>>) target(%dma_start3A_385 : memref<128x128xf32, #tpu.memory_space<hbm>>) target_semaphore(%arg17 : memref<!tpu.dma_semaphore, #tpu.memory_space<semaphore_mem>>)
    %add3A_386 = arith.constant 256 : i32
    %add3A_387 = arith.addi %mul3A_2, %add3A_386 : i32
    %multiple_of3A_388 = tpu.assume_multiple %add3A_387, 8 : i32
    %add3A_389 = arith.constant 256 : i32
    %add3A_390 = arith.addi %add3A_5, %add3A_389 : i32
    %multiple_of3A_391 = tpu.assume_multiple %add3A_390, 8 : i32
    %dma_wait3A_392 = arith.constant 0 : i32
    %dma_wait3A_393 = tpu.memref_slice %arg8[%add3A_5, %dma_wait3A_392] : memref<20480x128xf32, #tpu.memory_space<hbm>> -> memref<128x128xf32, #tpu.memory_space<hbm>>
    %dma_wait3A_394 = arith.constant 0 : i32
    %dma_wait3A_395 = tpu.memref_slice %arg8[%add3A_5, %dma_wait3A_394] : memref<20480x128xf32, #tpu.memory_space<hbm>> -> memref<128x128xf32, #tpu.memory_space<hbm>>
    tpu.wait_dma2 semaphore(%arg16 : memref<!tpu.dma_semaphore, #tpu.memory_space<semaphore_mem>>) src(%arg11 : memref<128x128xf32, #tpu.memory_space<vmem>>) dst(%dma_wait3A_395 : memref<128x128xf32, #tpu.memory_space<hbm>>)
    %dma_start3A_396 = arith.constant 0 : i32
    %dma_start3A_397 = tpu.memref_slice %arg13[%multiple_of3A_388, %dma_start3A_396] : memref<10240x128xf32, #tpu.memory_space<vmem_shared>> -> memref<128x128xf32, #tpu.memory_space<vmem_shared>>
    %dma_start3A_398 = arith.constant 0 : i32
    %dma_start3A_399 = tpu.memref_slice %arg13[%multiple_of3A_388, %dma_start3A_398] : memref<10240x128xf32, #tpu.memory_space<vmem_shared>> -> memref<128x128xf32, #tpu.memory_space<vmem_shared>>
    tpu.enqueue_dma source(%dma_start3A_399 : memref<128x128xf32, #tpu.memory_space<vmem_shared>>) target(%arg11 : memref<128x128xf32, #tpu.memory_space<vmem>>) target_semaphore(%arg14 : memref<!tpu.dma_semaphore, #tpu.memory_space<semaphore_mem>>)
    %dma_wait3A_400 = arith.constant 0 : i32
    %dma_wait3A_401 = tpu.memref_slice %arg13[%mul3A_2, %dma_wait3A_400] : memref<10240x128xf32, #tpu.memory_space<vmem_shared>> -> memref<128x128xf32, #tpu.memory_space<vmem_shared>>
    %dma_wait3A_402 = arith.constant 0 : i32
    %dma_wait3A_403 = tpu.memref_slice %arg13[%mul3A_2, %dma_wait3A_402] : memref<10240x128xf32, #tpu.memory_space<vmem_shared>> -> memref<128x128xf32, #tpu.memory_space<vmem_shared>>
    tpu.wait_dma2 semaphore(%arg14 : memref<!tpu.dma_semaphore, #tpu.memory_space<semaphore_mem>>) src(%dma_wait3A_403 : memref<128x128xf32, #tpu.memory_space<vmem_shared>>) dst(%arg11 : memref<128x128xf32, #tpu.memory_space<vmem>>)
    %dma_start3A_404 = arith.constant 0 : i32
    %dma_start3A_405 = tpu.memref_slice %arg8[%multiple_of3A_391, %dma_start3A_404] : memref<20480x128xf32, #tpu.memory_space<hbm>> -> memref<128x128xf32, #tpu.memory_space<hbm>>
    %dma_start3A_406 = arith.constant 0 : i32
    %dma_start3A_407 = tpu.memref_slice %arg8[%multiple_of3A_391, %dma_start3A_406] : memref<20480x128xf32, #tpu.memory_space<hbm>> -> memref<128x128xf32, #tpu.memory_space<hbm>>
    tpu.enqueue_dma source(%arg11 : memref<128x128xf32, #tpu.memory_space<vmem>>) target(%dma_start3A_407 : memref<128x128xf32, #tpu.memory_space<hbm>>) target_semaphore(%arg16 : memref<!tpu.dma_semaphore, #tpu.memory_space<semaphore_mem>>)
    %add3A_408 = arith.constant 384 : i32
    %add3A_409 = arith.addi %mul3A_2, %add3A_408 : i32
    %multiple_of3A_410 = tpu.assume_multiple %add3A_409, 8 : i32
    %add3A_411 = arith.constant 384 : i32
    %add3A_412 = arith.addi %add3A_5, %add3A_411 : i32
    %multiple_of3A_413 = tpu.assume_multiple %add3A_412, 8 : i32
    %dma_wait3A_414 = arith.constant 0 : i32
    %dma_wait3A_415 = tpu.memref_slice %arg8[%add3A_5, %dma_wait3A_414] : memref<20480x128xf32, #tpu.memory_space<hbm>> -> memref<128x128xf32, #tpu.memory_space<hbm>>
    %dma_wait3A_416 = arith.constant 0 : i32
    %dma_wait3A_417 = tpu.memref_slice %arg8[%add3A_5, %dma_wait3A_416] : memref<20480x128xf32, #tpu.memory_space<hbm>> -> memref<128x128xf32, #tpu.memory_space<hbm>>
    tpu.wait_dma2 semaphore(%arg17 : memref<!tpu.dma_semaphore, #tpu.memory_space<semaphore_mem>>) src(%arg12 : memref<128x128xf32, #tpu.memory_space<vmem>>) dst(%dma_wait3A_417 : memref<128x128xf32, #tpu.memory_space<hbm>>)
    %dma_start3A_418 = arith.constant 0 : i32
    %dma_start3A_419 = tpu.memref_slice %arg13[%multiple_of3A_410, %dma_start3A_418] : memref<10240x128xf32, #tpu.memory_space<vmem_shared>> -> memref<128x128xf32, #tpu.memory_space<vmem_shared>>
    %dma_start3A_420 = arith.constant 0 : i32
    %dma_start3A_421 = tpu.memref_slice %arg13[%multiple_of3A_410, %dma_start3A_420] : memref<10240x128xf32, #tpu.memory_space<vmem_shared>> -> memref<128x128xf32, #tpu.memory_space<vmem_shared>>
    tpu.enqueue_dma source(%dma_start3A_421 : memref<128x128xf32, #tpu.memory_space<vmem_shared>>) target(%arg12 : memref<128x128xf32, #tpu.memory_space<vmem>>) target_semaphore(%arg15 : memref<!tpu.dma_semaphore, #tpu.memory_space<semaphore_mem>>)
    %dma_wait3A_422 = arith.constant 0 : i32
    %dma_wait3A_423 = tpu.memref_slice %arg13[%mul3A_2, %dma_wait3A_422] : memref<10240x128xf32, #tpu.memory_space<vmem_shared>> -> memref<128x128xf32, #tpu.memory_space<vmem_shared>>
    %dma_wait3A_424 = arith.constant 0 : i32
    %dma_wait3A_425 = tpu.memref_slice %arg13[%mul3A_2, %dma_wait3A_424] : memref<10240x128xf32, #tpu.memory_space<vmem_shared>> -> memref<128x128xf32, #tpu.memory_space<vmem_shared>>
    tpu.wait_dma2 semaphore(%arg15 : memref<!tpu.dma_semaphore, #tpu.memory_space<semaphore_mem>>) src(%dma_wait3A_425 : memref<128x128xf32, #tpu.memory_space<vmem_shared>>) dst(%arg12 : memref<128x128xf32, #tpu.memory_space<vmem>>)
    %dma_start3A_426 = arith.constant 0 : i32
    %dma_start3A_427 = tpu.memref_slice %arg8[%multiple_of3A_413, %dma_start3A_426] : memref<20480x128xf32, #tpu.memory_space<hbm>> -> memref<128x128xf32, #tpu.memory_space<hbm>>
    %dma_start3A_428 = arith.constant 0 : i32
    %dma_start3A_429 = tpu.memref_slice %arg8[%multiple_of3A_413, %dma_start3A_428] : memref<20480x128xf32, #tpu.memory_space<hbm>> -> memref<128x128xf32, #tpu.memory_space<hbm>>
    tpu.enqueue_dma source(%arg12 : memref<128x128xf32, #tpu.memory_space<vmem>>) target(%dma_start3A_429 : memref<128x128xf32, #tpu.memory_space<hbm>>) target_semaphore(%arg17 : memref<!tpu.dma_semaphore, #tpu.memory_space<semaphore_mem>>)
    %add3A_430 = arith.constant 512 : i32
    %add3A_431 = arith.addi %mul3A_2, %add3A_430 : i32
    %multiple_of3A_432 = tpu.assume_multiple %add3A_431, 8 : i32
    %add3A_433 = arith.constant 512 : i32
    %add3A_434 = arith.addi %add3A_5, %add3A_433 : i32
    %multiple_of3A_435 = tpu.assume_multiple %add3A_434, 8 : i32
    %dma_wait3A_436 = arith.constant 0 : i32
    %dma_wait3A_437 = tpu.memref_slice %arg8[%add3A_5, %dma_wait3A_436] : memref<20480x128xf32, #tpu.memory_space<hbm>> -> memref<128x128xf32, #tpu.memory_space<hbm>>
    %dma_wait3A_438 = arith.constant 0 : i32
    %dma_wait3A_439 = tpu.memref_slice %arg8[%add3A_5, %dma_wait3A_438] : memref<20480x128xf32, #tpu.memory_space<hbm>> -> memref<128x128xf32, #tpu.memory_space<hbm>>
    tpu.wait_dma2 semaphore(%arg16 : memref<!tpu.dma_semaphore, #tpu.memory_space<semaphore_mem>>) src(%arg11 : memref<128x128xf32, #tpu.memory_space<vmem>>) dst(%dma_wait3A_439 : memref<128x128xf32, #tpu.memory_space<hbm>>)
    %dma_start3A_440 = arith.constant 0 : i32
    %dma_start3A_441 = tpu.memref_slice %arg13[%multiple_of3A_432, %dma_start3A_440] : memref<10240x128xf32, #tpu.memory_space<vmem_shared>> -> memref<128x128xf32, #tpu.memory_space<vmem_shared>>
    %dma_start3A_442 = arith.constant 0 : i32
    %dma_start3A_443 = tpu.memref_slice %arg13[%multiple_of3A_432, %dma_start3A_442] : memref<10240x128xf32, #tpu.memory_space<vmem_shared>> -> memref<128x128xf32, #tpu.memory_space<vmem_shared>>
    tpu.enqueue_dma source(%dma_start3A_443 : memref<128x128xf32, #tpu.memory_space<vmem_shared>>) target(%arg11 : memref<128x128xf32, #tpu.memory_space<vmem>>) target_semaphore(%arg14 : memref<!tpu.dma_semaphore, #tpu.memory_space<semaphore_mem>>)
    %dma_wait3A_444 = arith.constant 0 : i32
    %dma_wait3A_445 = tpu.memref_slice %arg13[%mul3A_2, %dma_wait3A_444] : memref<10240x128xf32, #tpu.memory_space<vmem_shared>> -> memref<128x128xf32, #tpu.memory_space<vmem_shared>>
    %dma_wait3A_446 = arith.constant 0 : i32
    %dma_wait3A_447 = tpu.memref_slice %arg13[%mul3A_2, %dma_wait3A_446] : memref<10240x128xf32, #tpu.memory_space<vmem_shared>> -> memref<128x128xf32, #tpu.memory_space<vmem_shared>>
    tpu.wait_dma2 semaphore(%arg14 : memref<!tpu.dma_semaphore, #tpu.memory_space<semaphore_mem>>) src(%dma_wait3A_447 : memref<128x128xf32, #tpu.memory_space<vmem_shared>>) dst(%arg11 : memref<128x128xf32, #tpu.memory_space<vmem>>)
    %dma_start3A_448 = arith.constant 0 : i32
    %dma_start3A_449 = tpu.memref_slice %arg8[%multiple_of3A_435, %dma_start3A_448] : memref<20480x128xf32, #tpu.memory_space<hbm>> -> memref<128x128xf32, #tpu.memory_space<hbm>>
    %dma_start3A_450 = arith.constant 0 : i32
    %dma_start3A_451 = tpu.memref_slice %arg8[%multiple_of3A_435, %dma_start3A_450] : memref<20480x128xf32, #tpu.memory_space<hbm>> -> memref<128x128xf32, #tpu.memory_space<hbm>>
    tpu.enqueue_dma source(%arg11 : memref<128x128xf32, #tpu.memory_space<vmem>>) target(%dma_start3A_451 : memref<128x128xf32, #tpu.memory_space<hbm>>) target_semaphore(%arg16 : memref<!tpu.dma_semaphore, #tpu.memory_space<semaphore_mem>>)
    %dma_wait3A_452 = arith.constant 0 : i32
    %dma_wait3A_453 = tpu.memref_slice %arg8[%add3A_5, %dma_wait3A_452] : memref<20480x128xf32, #tpu.memory_space<hbm>> -> memref<128x128xf32, #tpu.memory_space<hbm>>
    %dma_wait3A_454 = arith.constant 0 : i32
    %dma_wait3A_455 = tpu.memref_slice %arg8[%add3A_5, %dma_wait3A_454] : memref<20480x128xf32, #tpu.memory_space<hbm>> -> memref<128x128xf32, #tpu.memory_space<hbm>>
    tpu.wait_dma2 semaphore(%arg17 : memref<!tpu.dma_semaphore, #tpu.memory_space<semaphore_mem>>) src(%arg12 : memref<128x128xf32, #tpu.memory_space<vmem>>) dst(%dma_wait3A_455 : memref<128x128xf32, #tpu.memory_space<hbm>>)
    %dma_wait3A_456 = arith.constant 0 : i32
    %dma_wait3A_457 = tpu.memref_slice %arg8[%add3A_5, %dma_wait3A_456] : memref<20480x128xf32, #tpu.memory_space<hbm>> -> memref<128x128xf32, #tpu.memory_space<hbm>>
    %dma_wait3A_458 = arith.constant 0 : i32
    %dma_wait3A_459 = tpu.memref_slice %arg8[%add3A_5, %dma_wait3A_458] : memref<20480x128xf32, #tpu.memory_space<hbm>> -> memref<128x128xf32, #tpu.memory_space<hbm>>
    tpu.wait_dma2 semaphore(%arg16 : memref<!tpu.dma_semaphore, #tpu.memory_space<semaphore_mem>>) src(%arg11 : memref<128x128xf32, #tpu.memory_space<vmem>>) dst(%dma_wait3A_459 : memref<128x128xf32, #tpu.memory_space<hbm>>)
    "tpu.trace_stop"() : () -> ()
    return
  }
}

module attributes {stable_mosaic.version = 14 : i64} {
  func.func @_tc_mlp_body(%arg0: i32, %arg1: memref<1000x128xf32, #tpu.memory_space<vmem>>, %arg2: memref<1000x128xf32, #tpu.memory_space<vmem>>, %arg3: memref<1000x128xf32, #tpu.memory_space<vmem>>, %arg4: memref<1000x128xf32, #tpu.memory_space<vmem>>, %arg5: memref<1000x128xf32, #tpu.memory_space<vmem>>, %arg6: memref<128x128xf32, #tpu.memory_space<vmem>>, %arg7: memref<128x128xf32, #tpu.memory_space<vmem>>, %arg8: memref<1x128xf32, #tpu.memory_space<vmem>>, %arg9: memref<128x128xf32, #tpu.memory_space<vmem>>, %arg10: memref<1x128xf32, #tpu.memory_space<vmem>>, %arg11: memref<1000x128xf32, #tpu.memory_space<vmem>>) attributes {dimension_semantics = [#tpu.dimension_semantics<arbitrary>], iteration_bounds = array<i64: 10>, scalar_prefetch = 0 : i64, scratch_operands = 0 : i64, tpu.core_type = #tpu.core_type<tc>, window_params = [{transform_indices = @transform_0, window_bounds = array<i64: 1000, 128>}, {transform_indices = @transform_1, window_bounds = array<i64: 1000, 128>}, {transform_indices = @transform_2, window_bounds = array<i64: 1000, 128>}, {transform_indices = @transform_3, window_bounds = array<i64: 1000, 128>}, {transform_indices = @transform_4, window_bounds = array<i64: 1000, 128>}, {pipeline_mode = #tpu.pipeline_mode<synchronous>, transform_indices = @transform_5, window_bounds = array<i64: 128, 128>}, {pipeline_mode = #tpu.pipeline_mode<synchronous>, transform_indices = @transform_6, window_bounds = array<i64: 128, 128>}, {pipeline_mode = #tpu.pipeline_mode<synchronous>, transform_indices = @transform_7, window_bounds = array<i64: 1, 128>}, {pipeline_mode = #tpu.pipeline_mode<synchronous>, transform_indices = @transform_8, window_bounds = array<i64: 128, 128>}, {pipeline_mode = #tpu.pipeline_mode<synchronous>, transform_indices = @transform_9, window_bounds = array<i64: 1, 128>}, {transform_indices = @transform_10, window_bounds = array<i64: 1000, 128>}]} {
    %get3A = arith.constant 0 : index
    %get3A_0 = arith.constant 0 : index
    %get3A_1 = vector.load %arg1[%get3A, %get3A_0] : memref<1000x128xf32, #tpu.memory_space<vmem>>, vector<1000x1xf32>
    %get3A_2 = arith.constant 0 : index
    %get3A_3 = arith.constant 0 : index
    %get3A_4 = vector.load %arg2[%get3A_2, %get3A_3] : memref<1000x128xf32, #tpu.memory_space<vmem>>, vector<1000x1xf32>
    %add3A = arith.addf %get3A_1, %get3A_4 : vector<1000x1xf32>
    %get3A_5 = arith.constant 0 : index
    %get3A_6 = arith.constant 0 : index
    %get3A_7 = vector.load %arg3[%get3A_5, %get3A_6] : memref<1000x128xf32, #tpu.memory_space<vmem>>, vector<1000x1xf32>
    %get3A_8 = arith.constant 0 : index
    %get3A_9 = arith.constant 0 : index
    %get3A_10 = vector.load %arg4[%get3A_8, %get3A_9] : memref<1000x128xf32, #tpu.memory_space<vmem>>, vector<1000x1xf32>
    %add3A_11 = arith.addf %get3A_7, %get3A_10 : vector<1000x1xf32>
    %sub3A = arith.subf %add3A_11, %add3A : vector<1000x1xf32>
    %max3A = arith.constant 1.000000e+00 : f32
    %max3A_12 = vector.broadcast %max3A : f32 to vector<1000x1xf32>
    %max3A_13 = arith.maximumf %sub3A, %max3A_12 : vector<1000x1xf32>
    %div3A = arith.constant 1.000000e+00 : f32
    %div3A_14 = vector.broadcast %div3A : f32 to vector<1000x1xf32>
    %div3A_15 = arith.divf %div3A_14, %max3A_13 : vector<1000x1xf32>
    %get3A_16 = arith.constant 0 : index
    %get3A_17 = arith.constant 0 : index
    %get3A_18 = vector.load %arg1[%get3A_16, %get3A_17] : memref<1000x128xf32, #tpu.memory_space<vmem>>, vector<1000x128xf32>
    %get3A_19 = arith.constant 0 : index
    %get3A_20 = arith.constant 0 : index
    %get3A_21 = vector.load %arg2[%get3A_19, %get3A_20] : memref<1000x128xf32, #tpu.memory_space<vmem>>, vector<1000x128xf32>
    %add3A_22 = arith.addf %get3A_18, %get3A_21 : vector<1000x128xf32>
    %mul3A = vector.broadcast %div3A_15 : vector<1000x1xf32> to vector<1000x128xf32>
    %mul3A_23 = arith.mulf %add3A_22, %mul3A : vector<1000x128xf32>
    %get3A_24 = arith.constant 0 : index
    %get3A_25 = arith.constant 0 : index
    %get3A_26 = vector.load %arg6[%get3A_24, %get3A_25] : memref<128x128xf32, #tpu.memory_space<vmem>>, vector<128x128xf32>
    %dot_general3A = arith.constant dense<0.000000e+00> : vector<1000x128xf32>
    %dot_general3A_27 = tpu.matmul %mul3A_23, %get3A_26, %dot_general3A {dimension_numbers = #tpu.dot_dimension_numbers<[1], [1], [0], [0], [0, 0, 1, 0], [], []>, transpose_lhs_hint = false} : vector<1000x128xf32>, vector<128x128xf32>, vector<1000x128xf32> -> vector<1000x128xf32>
    %get3A_28 = arith.constant 0 : index
    %get3A_29 = arith.constant 0 : index
    %get3A_30 = vector.load %arg5[%get3A_28, %get3A_29] : memref<1000x128xf32, #tpu.memory_space<vmem>>, vector<1000x128xf32>
    %get3A_31 = arith.constant 0 : index
    %get3A_32 = arith.constant 0 : index
    %get3A_33 = vector.load %arg7[%get3A_31, %get3A_32] : memref<128x128xf32, #tpu.memory_space<vmem>>, vector<128x128xf32>
    %dot_general3A_34 = arith.constant dense<0.000000e+00> : vector<1000x128xf32>
    %dot_general3A_35 = tpu.matmul %get3A_30, %get3A_33, %dot_general3A_34 {dimension_numbers = #tpu.dot_dimension_numbers<[1], [1], [0], [0], [0, 0, 1, 0], [], []>, transpose_lhs_hint = false} : vector<1000x128xf32>, vector<128x128xf32>, vector<1000x128xf32> -> vector<1000x128xf32>
    %add3A_36 = arith.addf %dot_general3A_27, %dot_general3A_35 : vector<1000x128xf32>
    %get3A_37 = arith.constant 0 : index
    %get3A_38 = arith.constant 0 : index
    %get3A_39 = vector.load %arg8[%get3A_37, %get3A_38] : memref<1x128xf32, #tpu.memory_space<vmem>>, vector<1x128xf32>
    %add3A_40 = vector.broadcast %get3A_39 : vector<1x128xf32> to vector<1000x128xf32>
    %add3A_41 = arith.addf %add3A_36, %add3A_40 : vector<1000x128xf32>
    %max3A_42 = arith.constant 0.000000e+00 : f32
    %max3A_43 = vector.broadcast %max3A_42 : f32 to vector<1000x128xf32>
    %max3A_44 = arith.maximumf %add3A_41, %max3A_43 : vector<1000x128xf32>
    %get3A_45 = arith.constant 0 : index
    %get3A_46 = arith.constant 0 : index
    %get3A_47 = vector.load %arg9[%get3A_45, %get3A_46] : memref<128x128xf32, #tpu.memory_space<vmem>>, vector<128x128xf32>
    %dot_general3A_48 = arith.constant dense<0.000000e+00> : vector<1000x128xf32>
    %dot_general3A_49 = tpu.matmul %max3A_44, %get3A_47, %dot_general3A_48 {dimension_numbers = #tpu.dot_dimension_numbers<[1], [1], [0], [0], [0, 0, 1, 0], [], []>, transpose_lhs_hint = false} : vector<1000x128xf32>, vector<128x128xf32>, vector<1000x128xf32> -> vector<1000x128xf32>
    %get3A_50 = arith.constant 0 : index
    %get3A_51 = arith.constant 0 : index
    %get3A_52 = vector.load %arg10[%get3A_50, %get3A_51] : memref<1x128xf32, #tpu.memory_space<vmem>>, vector<1x128xf32>
    %add3A_53 = vector.broadcast %get3A_52 : vector<1x128xf32> to vector<1000x128xf32>
    %add3A_54 = arith.addf %dot_general3A_49, %add3A_53 : vector<1000x128xf32>
    %swap3A = arith.constant 0 : index
    %swap3A_55 = arith.constant 0 : index
    %swap3A_56 = vector.load %arg11[%swap3A, %swap3A_55] : memref<1000x128xf32, #tpu.memory_space<vmem>>, vector<1000x128xf32>
    tpu.vector_store %arg11[%swap3A, %swap3A_55], %add3A_54 {strides = array<i32>} : memref<1000x128xf32, #tpu.memory_space<vmem>>, vector<1000x128xf32>,
    return
  }
  func.func @transform_0(%arg0: i32) -> (i32, i32) {
    %c0_i32 = arith.constant 0 : i32
    %c0_i32_0 = arith.constant 0 : i32
    return %arg0, %c0_i32 : i32, i32
  }
  func.func @transform_1(%arg0: i32) -> (i32, i32) {
    %c0_i32 = arith.constant 0 : i32
    %c0_i32_0 = arith.constant 0 : i32
    return %arg0, %c0_i32 : i32, i32
  }
  func.func @transform_2(%arg0: i32) -> (i32, i32) {
    %c0_i32 = arith.constant 0 : i32
    %c0_i32_0 = arith.constant 0 : i32
    return %arg0, %c0_i32 : i32, i32
  }
  func.func @transform_3(%arg0: i32) -> (i32, i32) {
    %c0_i32 = arith.constant 0 : i32
    %c0_i32_0 = arith.constant 0 : i32
    return %arg0, %c0_i32 : i32, i32
  }
  func.func @transform_4(%arg0: i32) -> (i32, i32) {
    %c0_i32 = arith.constant 0 : i32
    %c0_i32_0 = arith.constant 0 : i32
    return %arg0, %c0_i32 : i32, i32
  }
  func.func @transform_5(%arg0: i32) -> (i32, i32) {
    %c0_i32 = arith.constant 0 : i32
    %c0_i32_0 = arith.constant 0 : i32
    %c0_i32_1 = arith.constant 0 : i32
    return %c0_i32, %c0_i32_0 : i32, i32
  }
  func.func @transform_6(%arg0: i32) -> (i32, i32) {
    %c0_i32 = arith.constant 0 : i32
    %c0_i32_0 = arith.constant 0 : i32
    %c0_i32_1 = arith.constant 0 : i32
    return %c0_i32, %c0_i32_0 : i32, i32
  }
  func.func @transform_7(%arg0: i32) -> (i32, i32) {
    %c0_i32 = arith.constant 0 : i32
    %c0_i32_0 = arith.constant 0 : i32
    %c0_i32_1 = arith.constant 0 : i32
    return %c0_i32, %c0_i32_0 : i32, i32
  }
  func.func @transform_8(%arg0: i32) -> (i32, i32) {
    %c0_i32 = arith.constant 0 : i32
    %c0_i32_0 = arith.constant 0 : i32
    %c0_i32_1 = arith.constant 0 : i32
    return %c0_i32, %c0_i32_0 : i32, i32
  }
  func.func @transform_9(%arg0: i32) -> (i32, i32) {
    %c0_i32 = arith.constant 0 : i32
    %c0_i32_0 = arith.constant 0 : i32
    %c0_i32_1 = arith.constant 0 : i32
    return %c0_i32, %c0_i32_0 : i32, i32
  }
  func.func @transform_10(%arg0: i32) -> (i32, i32) {
    %c0_i32 = arith.constant 0 : i32
    %c0_i32_0 = arith.constant 0 : i32
    return %arg0, %c0_i32 : i32, i32
  }
}

</mosaic_0001>

<sc_bundles>
// kernel: kernel.4.cloned.1.call-start
scs
__scs_entry_jumppad:
0x0: {  	(pc) =	sbr.rel $0x88, $3  }
0x1: {  	(tag) =	ssettag $0x0;
	lr =	simm.s32 $0x1  }
0x2: {  	[smem:$0x3F9B] =	sst lr;
	_ =	strace $0xD0000000  }
0x3: {  	_ = 	snop  }
0x4: {  	_ = 	snop  }
0x5: {  	_ = 	snop  }
0x6: {  	_ = 	snop  }
0x7: {  	_ = 	snop  }
__scs_overlays_trampoline_lowered:
0x8: {  	[smem:$0x3FAA] =	sst s0  }
0x9: {  	[smem:$0x3FAB] =	sst s1  }
0xa: {  	[smem:$0x3FAC] =	sst s2  }
0xb: {  	[smem:$0x3FAD] =	sst s3  }
0xc: {  	[smem:$0x3FAE] =	sst s4  }
0xd: {  	[smem:$0x3FAF] =	sst s5  }
0xe: {  	[smem:$0x3FB0] =	sst s6  }
0xf: {  	[smem:$0x3FB1] =	sst s7  }
0x10: {  	[smem:$0x3FB2] =	sst s8  }
0x11: {  	[smem:$0x3FB3] =	sst s9;
	s0 =	simm.s32 @!p0 $0x0  }
0x12: {  	s1 =	sld [smem:$0x3F99];
	s0 =	simm.s32 @p0 $0x1  }
0x13: {  	[smem:$0x3FB4] =	sst s0;
	s0 =	simm.s32 @!p1 $0x0  }
0x14: {  	s2 =	sld [smem:$0x3F98];
	s0 =	simm.s32 @p1 $0x1  }
0x15: {  	[smem:$0x3FB5] =	sst s0;
	s0 =	simm.s32 @!p2 $0x0  }
0x16: {  	s3 =	sld [smem:$0x3FDB];
	s0 =	simm.s32 @p2 $0x1  }
0x17: {  	s4 =	simm.s32 $0x1BF5;
	[smem:$0x3FB7] =	sst s0  }
0x18: {  	s0 =	sld [smem:$0x3F9A];
	_ =	swait.ge [sflag:s4], $0x0  }
0x19: {  	s7 =	sld [smem:$0x3F9B]  }
0x1a: {  	s8 =	sadd.s32 $0xFFFFE003, lr  }
0x1b: {  	s9 =	sadd.s32 $0xFFFFFEF7, lr;
	s5 =	simm.s32 $0xFFFFFFFF;
	p2 =	slt.u32 s8, $0xFFFFF086  }
0x1c: {  	p1 =	slt.u32 s9, $0xF7A;
	s5 =	simm.s32 @!p2 $0x0  }
0x1d: {  	s5 =	simm.s32 @p1 $0x1;
	p0 =	seq.s32 s7, s2  }
0x1e: {  	s7 =	smul.u32 @!p0 $0xF7A, s2;
	p2 =	seq.s32 @!p0 s5, $0x0  }
0x1f: {  	s9 =	smul.u32 $0xF7A, s1;
	s8 =	simm.s32 @!p0 $0x1BF5;
	p2 =	por !p2, p0  }
0x20: {  	[sflag:s8] =	ssyncset.s32 @!p0 $0xFFFFF086;
	s6 =	sadd.s32 @!p0 s3, s7;
	s7 =	simm.s32 @!p0 $0x108  }
0x21: {  	s3 =	sadd.s32 s3, s9;
	s6 =	sadd.s32 @!p0 $0x88, s6;
	s7 =	simm.s32 @p2 $0x1082  }
0x22: {  	[simem:s7], [sflag:s8] =	dma.local @!p0 [hbm:s6], $0xF7A  }
0x23: {  	s9 =	sor.u32 $0xD0000000, s2;
	s6 =	simm.s32 $0x108;
	_ =	swait.ge @!p0 [sflag:s8], $0x0  }
0x24: {  	s3 =	sadd.s32 $0x88, s3;
	s6 =	simm.s32 @!p1 $0x1082;
	[sflag:s4] =	ssyncset.s32 $0xFFFFF086  }
0x25: {  	[simem:s6], [sflag:s4] =	dma.local [hbm:s3], $0xF7A  }
0x26: {  	[smem:$0x3F9B] =	sst s1;
	(tag) =	ssettag s2;
	_ =	strace s9  }
0x27: {  	s1 =	sld [smem:$0x3FAB]  }
0x28: {  	s2 =	sld [smem:$0x3FAC]  }
0x29: {  	s4 =	sld [smem:$0x3FAE]  }
0x2a: {  	p0 =	seq.s32 s5, $0x0;
	s5 =	sld [smem:$0x3FAF]  }
0x2b: {  	s6 =	sld [smem:$0x3FB0]  }
0x2c: {  	s7 =	sld [smem:$0x3FB1]  }
0x2d: {  	s3 =	simm.s32 $0x108;
	s8 =	sld [smem:$0x3FB2]  }
0x2e: {  	s3 =	simm.s32 @!p0 $0x1082;
	s9 =	sld [smem:$0x3FB3]  }
0x2f: {  	lr =	sadd.s32 s0, s3;
	s0 =	sld [smem:$0x3FAA]  }
0x30: {  	s3 =	sld [smem:$0x3FAD]  }
0x31: {  	[smem:$0x3FB6] =	sst s10  }
0x32: {  	s10 =	sld [smem:$0x3FB4];
	_ =	sdelay $0x3  }
0x33: {  	p0 =	seq.s32 s10, $0x1;
	s10 =	sld [smem:$0x3FB6];
	_ =	sdelay $0x3  }
0x34: {  	[smem:$0x3FB6] =	sst s10  }
0x35: {  	s10 =	sld [smem:$0x3FB5];
	_ =	sdelay $0x3  }
0x36: {  	p1 =	seq.s32 s10, $0x1;
	s10 =	sld [smem:$0x3FB6];
	_ =	sdelay $0x3  }
0x37: {  	[smem:$0x3FB6] =	sst s10  }
0x38: {  	s10 =	sld [smem:$0x3FB7]  }
0x39: {  	_ = 	snop;
	(pc) =	sbr.ind lr, $3  }
0x3a: {  	_ = 	snop  }
0x3b: {  	_ = 	snop  }
0x3c: {  	p2 =	seq.s32 s10, $0x1;
	s10 =	sld [smem:$0x3FB6]  }
0x3d: {  	_ =	shalt  }
0x3e: {  	_ =	shalt  }
0x3f: {  	_ =	shalt  }
0x40: {  	_ =	shalt  }
0x41: {  	_ =	shalt  }
0x42: {  	_ =	shalt  }
0x43: {  	_ =	shalt  }
0x44: {  	_ =	shalt  }
0x45: {  	_ =	shalt  }
0x46: {  	_ =	shalt  }
0x47: {  	_ =	shalt  }
0x48: {  	_ =	shalt  }
0x49: {  	_ =	shalt  }
0x4a: {  	_ =	shalt  }
0x4b: {  	_ =	shalt  }
0x4c: {  	_ =	shalt  }
0x4d: {  	_ =	shalt  }
0x4e: {  	_ =	shalt  }
0x4f: {  	_ =	shalt  }
0x50: {  	_ =	shalt  }
0x51: {  	_ =	shalt  }
0x52: {  	_ =	shalt  }
0x53: {  	_ =	shalt  }
0x54: {  	_ =	shalt  }
0x55: {  	_ =	shalt  }
0x56: {  	_ =	shalt  }
0x57: {  	_ =	shalt  }
0x58: {  	_ =	shalt  }
0x59: {  	_ =	shalt  }
0x5a: {  	_ =	shalt  }
0x5b: {  	_ =	shalt  }
0x5c: {  	_ =	shalt  }
0x5d: {  	_ =	shalt  }
0x5e: {  	_ =	shalt  }
0x5f: {  	_ =	shalt  }
0x60: {  	_ =	shalt  }
0x61: {  	_ =	shalt  }
0x62: {  	_ =	shalt  }
0x63: {  	_ =	shalt  }
0x64: {  	_ =	shalt  }
0x65: {  	_ =	shalt  }
0x66: {  	_ =	shalt  }
0x67: {  	_ =	shalt  }
0x68: {  	_ =	shalt  }
0x69: {  	_ =	shalt  }
0x6a: {  	_ =	shalt  }
0x6b: {  	_ =	shalt  }
0x6c: {  	_ =	shalt  }
0x6d: {  	_ =	shalt  }
0x6e: {  	_ =	shalt  }
0x6f: {  	_ =	shalt  }
0x70: {  	_ =	shalt  }
0x71: {  	_ =	shalt  }
0x72: {  	_ =	shalt  }
0x73: {  	_ =	shalt  }
0x74: {  	_ =	shalt  }
0x75: {  	_ =	shalt  }
0x76: {  	_ =	shalt  }
0x77: {  	_ =	shalt  }
0x78: {  	_ =	shalt  }
0x79: {  	_ =	shalt  }
0x7a: {  	_ =	shalt  }
0x7b: {  	_ =	shalt  }
0x7c: {  	_ =	shalt  }
0x7d: {  	_ =	shalt  }
0x7e: {  	_ =	shalt  }
0x7f: {  	_ =	shalt  }
0x80: {  	_ =	shalt  }
0x81: {  	_ =	shalt  }
0x82: {  	_ =	shalt  }
0x83: {  	_ =	shalt  }
0x84: {  	_ =	shalt  }
0x85: {  	_ =	shalt  }
0x86: {  	_ =	shalt  }
0x87: {  	_ =	shalt  }
.Lfunc_end0:
.L_simem_size_0:
called_computation_lowered:
.L_overlay_start_0:
0x88: {  	s2 =	sld [smem:$0x3FD9]  }
0x89: {  	s3 =	sld [smem:$0x3FFE];
	_ =	sdelay $0x1  }
0x8a: {  	s1 =	srdreg.scid  }
0x8b: {  	s0 =	sand.u32 $0x1, s1  }
0x8c: {  	s17 =	sshll.u32 s0, $0xA;
	s2 =	sadd.s32 s3, s2  }
0x8d: {  	s2 =	sadd.s32 s2, s17  }
0x8e: {  	[smem:$0x3FC2] =	sst s2  }
0x8f: {  	_ = 	snop  }
0x90: {  	s2 =	sld [smem:$0x3FC9]  }
0x91: {  	s18 =	sld [smem:$0x3FD0];
	(tm) =	ssettm $0x1  }
0x92: {  	s4 =	sld [smem:$0x3FFB];
	_ =	sdelay $0x3  }
0x93: {  	_ =	strace s4  }
0x94: {  	s4 =	sld [smem:$0x3FFC];
	_ =	sdelay $0x3  }
0x95: {  	_ =	strace s4  }
0x96: {  	s4 =	sld [smem:$0x3FFD];
	_ =	sdelay $0x3  }
0x97: {  	_ =	strace s4  }
0x98: {  	_ =	strace $0x8FFFFFFF  }
0x99: {  	s19 =	sld [smem:$0x3FDB];
	_ =	sdelay $0x1  }
0x9a: {  	s5 =	simm.s32 $_scs_section_size  }
0x9b: {  	s6 =	simm.s32 $_size__tile_overlayer_lowered;
	s7 =	simm.s32 $_tile_overlayer_lowered  }
0x9c: {  	s22 =	simm.s32 $0x1BFF;
	s21 =	sshll.u32 s7, $0x1;
	s4 =	sadd.s32 s5, s19  }
0x9d: {  	s8 =	simm.s32 $0x0;
	s20 =	sshll.u32 s6, $0x1;
	s6 =	sadd.s32 s21, s4  }
0x9e: {  	[timem:s8], [sflag:s22] =	dma.local [hbm:s6], s20  }
0x9f: {  	_ =	swait.ge [sflag:s22], s20  }
0xa0: {  	s5 =	ssub.s32 $0x0, s20;
	[sflag:s22] =	ssyncset.done $0x0  }
0xa1: {  	[sflag:s22] =	ssyncadd.s32 s5;
	_ =	sdelay $0x1  }
0xa2: {  	s23 =	simm.s32 $0x1B8B  }
0xa3: {  	_ =	swait.ge [sflag:s23], $0x1  }
0xa4: {  	[sflag:s23] =	ssyncset.done $0x0  }
0xa5: {  	s25 =	simm.s32 $0x1B8E;
	s24 =	sld [smem:$0x3FFE];
	[sflag:s23] =	ssyncadd.s32 $0xFFFFFFFF  }
0xa6: {  	s26 =	simm.s32 $execute0_lowered;
	[smem:$0x3FD2] =	sst s25  }
0xa7: {  	s6 =	sshll.u32 s26, $0x1;
	_ =	strace $0x80000046;
	[dreg:$0x1] =	wrdreg $0xFFFFFFFF  }
0xa8: {  	s28 =	simm.s32 $_size_execute0_lowered;
	s4 =	sadd.s32 s4, s6;
	[dreg:$0x0] =	wrdreg $0x0  }
0xa9: {  	s6 =	sshll.u32 s28, $0x1;
	[dreg:$0x2] =	wrdreg s4  }
0xaa: {  	[dreg:$0x3] =	wrdreg s6  }
0xab: {  	[dreg:$0x4] =	wrdreg $0xC0  }
0xac: {  	_ =	task [dreg:s8], $0x5FFFF  }
0xad: {  	[dreg:$0x1] =	wrdreg $0xFFFFFFFF  }
0xae: {  	[dreg:$0x0] =	wrdreg $0x60  }
0xaf: {  	[dreg:$0x2] =	wrdreg s24  }
0xb0: {  	[dreg:$0x3] =	wrdreg s2  }
0xb1: {  	[dreg:$0x4] =	wrdreg s18  }
0xb2: {  	[dreg:$0x5] =	wrdreg $0xA8000  }
0xb3: {  	[dreg:$0x6] =	wrdreg $0x9  }
0xb4: {  	_ =	task.clear_ibuf [dreg:s8], $0x7FFFF;
	_ =	strace $0x90000046  }
0xb5: {  	s29 =	simm.s32 $0x9;
	_ =	strace $0x80000050  }
0xb6: {  	_ =	swait.ge [sflag:s29], $0x1  }
0xb7: {  	[sflag:s29] =	ssyncadd.s32 $0xFFFFFFFF  }
0xb8: {  	_ =	strace $0x90000050  }
0xb9: {  	_ =	sfence  }
0xba: {  	s30 =	sld [smem:$0x0];
	_ =	sdelay $0x2  }
0xbb: {  	s31 =	sshll.u32 s1, $0xD;
	s1 =	sshrl.u32 s1, $0x2  }
0xbc: {  	s3 =	sand.u32 $0x4000, s31;
	s1 =	sadd.s32 s1, s30  }
0xbd: {  	s0 =	sor.u32 s3, s0;
	s1 =	sshll.u32 s1, $0x11  }
0xbe: {  	s0 =	sor.u32 s1, s0  }
0xbf: {  	s0 =	sadd.s32 $0x8F2B, s0  }
0xc0: {  	[sflag:s0] =	ssyncadd.remote.s32 $0x1  }
0xc1: {  	_ =	sfence.sel $0xFFFF  }
0xc2: {  	[dreg:$0x0] =	wrdreg $0xFFFFFFFF;
	(pc) =	sbr.abs _section_cstart, $3  }
0xc3: {  	[dreg:$0x1] =	wrdreg $0xFFFFFFFF  }
0xc4: {  	_ =	task.clear_ibuf [dreg:s8], $0x2FFFF;
	_ =	strace $0x9FFFFFFF  }
0xc5: {  	(tm) =	ssettm $0x7FFFFFFF  }
tec
execute0_lowered:
.L_overlay_start_1:
0x0: {  	(tag) =	ssettag $0x1  }
0x1: {  	s0 =	rddreg [dreg:$0x0]  }
0x2: {  	s1 =	rddreg [dreg:$0x1]  }
0x3: {  	s3 =	rddreg [dreg:$0x2]  }
0x4: {  	s2 =	rddreg [dreg:$0x3]  }
0x5: {  	s4 =	srdreg.scid;
	s12 =	stileid.u32;
	s28 =	simm.s32 $0x2800  }
0x6: {  	s29 =	simm.s32 $0x5;
	s30 =	simm.s32 $0x3;
	s31 =	simm.s32 $0x1400  }
0x7: {  	s5 =	sand.u32 $0x1, s4;
	s4 =	simm.s32 $0x0;
	s9 =	sadd.s32 $0xC00, s0  }
0x8: {  	s11 =	sadd.s32 $0xAC00, s0;
	s7 =	smul.u32 $0x280, s12;
	s14 =	sadd.s32 $0x24C00, s0  }
0x9: {  	s6 =	sshll.u32 s5, $0x4;
	[smem:$0x7FF] =	sst s4;
	s10 =	ssub.s32 $0x2, s5  }
0xa: {  	s5 =	smul.u32 $0x2800, s5;
	s8 =	sor.u32 s12, s6;
	_ =	strace $0x80000047  }
0xb: {  	s12 =	smul.u32 $0x50000, s12;
	s15 =	sshrl.u32 s10, $0x1;
	s6 =	sshll.u32 s8, $0xB  }
0xc: {  	s15 =	ssub.s32 s10, s15;
	s26 =	smul.u32 $0x2800, s8;
	s5 =	sadd.s32 s7, s5  }
0xd: {  	s16 =	smul.u32 $0x500, s8;
	s13 =	sadd.s32 s6, s0;
	s0 =	sadd.s32 $0x74C00, s0  }
0xe: {  	s25 =	sshrl.u32 s12, $0x2;
	s3 =	sadd.s32 s3, s6;
	s5 =	sshll.u32 s5, $0x4  }
0xf: {  	[dreg:$0x5] =	wrdreg s3;
	s6 =	sadd.s32 s25, s2;
	s10 =	sshrl.u32 s26, $0x3  }
0x10: {  	s17 =	sadd.s32 s14, s5;
	s18 =	sadd.s32 $0x800, s5;
	s20 =	sadd.s32 $0x1000, s5  }
0x11: {  	s21 =	sadd.s32 $0x1800, s5;
	s23 =	sadd.s32 $0x2000, s5;
	s5 =	sadd.s32 s0, s5  }
0x12: {  	s26 =	sadd.s32 $0x14C00, s13;
	s13 =	simm.s32 $0x8800;
	[dreg:$0x8] =	wrdreg s17  }
0x13: {  	s7 =	sadd.s32 $0x4000, s6;
	s8 =	sadd.s32 $0x8000, s6;
	[dreg:$0xd] =	wrdreg s5  }
0x14: {  	s12 =	sadd.s32 s9, s10;
	s3 =	sadd.s32 $0x280, s10;
	[dreg:$0x12] =	wrdreg s26  }
0x15: {  	s10 =	sadd.s32 s11, s16;
	s19 =	sadd.s32 s14, s18;
	[dreg:$0x6] =	wrdreg s12  }
0x16: {  	s16 =	sadd.s32 s14, s20;
	s22 =	sadd.s32 s14, s21;
	[dreg:$0x9] =	wrdreg s19  }
0x17: {  	s14 =	sadd.s32 s14, s23;
	s24 =	sadd.s32 s0, s20;
	[dreg:$0xa] =	wrdreg s16  }
0x18: {  	s25 =	sadd.s32 s0, s21;
	s26 =	sadd.s32 $0x10000, s6;
	[dreg:$0xb] =	wrdreg s22  }
0x19: {  	s5 =	simm.s32 $0x80;
	s17 =	simm.s32 $0x2700;
	[dreg:$0xc] =	wrdreg s14  }
0x1a: {  	s20 =	simm.s32 $0x0;
	s9 =	sadd.s32 s9, s3;
	[dreg:$0xf] =	wrdreg s24  }
0x1b: {  	s12 =	sadd.s32 s11, s3;
	s3 =	sadd.s32 s0, s18;
	[dreg:$0x10] =	wrdreg s25  }
0x1c: {  	s0 =	sadd.s32 s0, s23;
	s23 =	sadd.s32 $0xC000, s6;
	s25 =	smax.u32 s15, $0x1  }
0x1d: {  	s11 =	simm.s32 $0xC0;
	s14 =	simm.s32 $0x1;
	[dreg:$0x7] =	wrdreg s9  }
0x1e: {  	s15 =	simm.s32 $0x2;
	s16 =	simm.s32 $0x4;
	[dreg:$0xe] =	wrdreg s3  }
0x1f: {  	s18 =	simm.s32 $0x2780;
	s19 =	simm.s32 $0x1480;
	[dreg:$0x11] =	wrdreg s0  }
0x20: {  	s0 =	simm.s32 $0x40;
	s3 =	simm.s32 $0x4800;
	s9 =	simm.s32 $0x6800  }
.LBB2_1:
0x21: {  	_ =	strace $0x80000048  }
0x22: {  	s21 =	rddreg [dreg:$0x5]  }
0x23: {  	[tilespmem:s28], [sflag:$0x5] =	stream.linear.gather [hbm4b:s21+s4], $0x4000, $0x200038;
	[tilespmem:$0x1E800] =	vst v63  }
0x24: {  	_ =	swait.ge [sflag:s29], $0x4000  }
0x25: {  	[sflag:s29] =	ssyncset.done $0x0  }
0x26: {  	[sflag:s29] =	ssyncadd.s32 $0xFFFFC000  }
0x27: {  	_ =	strace $0x90000048  }
0x28: {  	_ =	strace $0x80000049  }
0x29: {  	[spmem:s6] =	stream.linear.scatter [tilespmem:s28], [sflag:$0x3], $0x4000, $0x200038;
	[tilespmem:$0x1E800] =	vst v63  }
0x2a: {  	_ = 	snop  }
0x2b: {  	[spmem:s7] =	stream.linear.scatter [tilespmem:s28], [sflag:$0x3], $0x4000, $0x200038;
	[tilespmem:$0x1E800] =	vst v63  }
0x2c: {  	_ = 	snop  }
0x2d: {  	[spmem:s8] =	stream.linear.scatter [tilespmem:s28], [sflag:$0x3], $0x4000, $0x200038;
	[tilespmem:$0x1E800] =	vst v63  }
0x2e: {  	_ = 	snop  }
0x2f: {  	[spmem:s23] =	stream.linear.scatter [tilespmem:s28], [sflag:$0x3], $0x4000, $0x200038;
	[tilespmem:$0x1E800] =	vst v63  }
0x30: {  	_ = 	snop  }
0x31: {  	[spmem:s26] =	stream.linear.scatter [tilespmem:s28], [sflag:$0x3], $0x4000, $0x200038;
	[tilespmem:$0x1E800] =	vst v63  }
0x32: {  	_ =	swait.ge [sflag:s30], $0x4000  }
0x33: {  	[sflag:s30] =	ssyncset.done $0x0  }
0x34: {  	[sflag:s30] =	ssyncadd.s32 $0xFFFFC000  }
0x35: {  	_ =	swait.ge [sflag:s30], $0x4000  }
0x36: {  	[sflag:s30] =	ssyncset.done $0x0  }
0x37: {  	[sflag:s30] =	ssyncadd.s32 $0xFFFFC000  }
0x38: {  	_ =	swait.ge [sflag:s30], $0x4000  }
0x39: {  	[sflag:s30] =	ssyncset.done $0x0  }
0x3a: {  	[sflag:s30] =	ssyncadd.s32 $0xFFFFC000  }
0x3b: {  	_ =	swait.ge [sflag:s30], $0x4000  }
0x3c: {  	[sflag:s30] =	ssyncset.done $0x0  }
0x3d: {  	[sflag:s30] =	ssyncadd.s32 $0xFFFFC000  }
0x3e: {  	_ =	swait.ge [sflag:s30], $0x4000  }
0x3f: {  	[sflag:s30] =	ssyncset.done $0x0  }
0x40: {  	[sflag:s30] =	ssyncadd.s32 $0xFFFFC000  }
0x41: {  	_ =	strace $0x90000049  }
0x42: {  	[bflag:$0x0] =	sbarrier.arrive $0xFFFF  }
0x43: {  	s22 =	rddreg [dreg:$0x6]  }
0x44: {  	[tilespmem:s4], [sflag:$0x5] =	stream.linear.gather [hbm4b:s22+s4], $0x1400, $0x38;
	[tilespmem:$0x1E800] =	vst v63  }
0x45: {  	_ =	swait.ge [sflag:s29], $0x1400  }
0x46: {  	[sflag:s29] =	ssyncset.done $0x0  }
0x47: {  	[sflag:s29] =	ssyncadd.s32 $0xFFFFEC00  }
0x48: {  	[tilespmem:s31], [sflag:$0x5] =	stream.linear.gather [hbm4b:s10+s4], $0x1400, $0x38;
	[tilespmem:$0x1E800] =	vst v63  }
0x49: {  	_ =	swait.ge [sflag:s29], $0x1400  }
0x4a: {  	[sflag:s29] =	ssyncset.done $0x0  }
0x4b: {  	[sflag:s29] =	ssyncadd.s32 $0xFFFFEC00  }
0x4c: {  	[tilespmem:s28], [sflag:$0x1] =	stream.indirect.gather [hbm4b:s1+s0], $0x80, s4, s0, $0xb8;
	[tilespmem:$0x1E800] =	vst v63  }
0x4d: {  	_ = 	snop  }
0x4e: {  	[tilespmem:s3], [sflag:$0x1] =	stream.indirect.gather [hbm4b:s1+s0], $0x80, s0, s0, $0xb8;
	[tilespmem:$0x1E800] =	vst v63  }
0x4f: {  	_ = 	snop  }
0x50: {  	[tilespmem:s9], [sflag:$0x2] =	stream.indirect.gather [hbm4b:s1+s0], $0x80, s5, s0, $0xb8;
	[tilespmem:$0x1E800] =	vst v63  }
0x51: {  	_ = 	snop  }
0x52: {  	[tilespmem:s13], [sflag:$0x2] =	stream.indirect.gather [hbm4b:s1+s0], $0x80, s11, s0, $0xb8;
	[tilespmem:$0x1E800] =	vst v63  }
0x53: {  	_ =	strace $0x8000004A  }
0x54: {  	_ =	swait.ge [sflag:s14], $0x2000  }
0x55: {  	[sflag:s14] =	ssyncset.done $0x0  }
0x56: {  	[sflag:s14] =	ssyncadd.s32 $0xFFFFE000  }
0x57: {  	_ =	swait.ge [sflag:s14], $0x2000  }
0x58: {  	[sflag:s14] =	ssyncset.done $0x0  }
0x59: {  	s24 =	simm.s32 $0x1400;
	[sflag:s14] =	ssyncadd.s32 $0xFFFFE000  }
0x5a: {  	[spmem:s2] =	stream.indirect.scatter.add.f32 [tilespmem:s28], [sflag:$0x3], $0x80, s24, s5, $0x2000b8;
	[tilespmem:$0x1E800] =	vst v63  }
0x5b: {  	_ =	swait.ge [sflag:s15], $0x2000  }
0x5c: {  	[sflag:s15] =	ssyncset.done $0x0  }
0x5d: {  	[sflag:s15] =	ssyncadd.s32 $0xFFFFE000  }
0x5e: {  	_ =	swait.ge [sflag:s15], $0x2000  }
0x5f: {  	[sflag:s15] =	ssyncset.done $0x0  }
0x60: {  	s22 =	simm.s32 $0x1480;
	[sflag:s15] =	ssyncadd.s32 $0xFFFFE000  }
0x61: {  	[spmem:s2] =	stream.indirect.scatter.add.f32 [tilespmem:s9], [sflag:$0x4], $0x80, s22, s5, $0x2000b8;
	[tilespmem:$0x1E800] =	vst v63  }
0x62: {  	_ =	swait.ge [sflag:s30], $0x4000  }
0x63: {  	[sflag:s30] =	ssyncset.done $0x0  }
0x64: {  	s24 =	simm.s32 $0x100;
	[sflag:s30] =	ssyncadd.s32 $0xFFFFC000  }
0x65: {  	[tilespmem:s28], [sflag:$0x1] =	stream.indirect.gather [hbm4b:s1+s0], $0x80, s24, s0, $0x2000b8;
	[tilespmem:$0x1E800] =	vst v63  }
0x66: {  	s22 =	simm.s32 $0x140  }
0x67: {  	[tilespmem:s3], [sflag:$0x1] =	stream.indirect.gather [hbm4b:s1+s0], $0x80, s22, s0, $0x2000b8;
	[tilespmem:$0x1E800] =	vst v63  }
0x68: {  	_ =	swait.ge [sflag:s16], $0x4000  }
0x69: {  	s21 =	simm.s32 $0x400;
	[sflag:s16] =	ssyncset.done $0x0  }
0x6a: {  	s24 =	simm.s32 $0x180;
	s22 =	simm.s32 $0x1C0;
	[sflag:s16] =	ssyncadd.s32 $0xFFFFC000  }
0x6b: {  	[tilespmem:s9], [sflag:$0x2] =	stream.indirect.gather [hbm4b:s1+s0], $0x80, s24, s0, $0x2000b8;
	[tilespmem:$0x1E800] =	vst v63  }
.LBB2_2:
0x6c: {  	[tilespmem:s13], [sflag:$0x2] =	stream.indirect.gather [hbm4b:s1+s0], $0x80, s22, s0, $0x2000b8;
	[tilespmem:$0x1E800] =	vst v63  }
0x6d: {  	s22 =	smov.u32 s21  }
0x6e: {  	p0 =	sne.s32 s21, $0x4800;
	s21 =	sadd.s32 $0x400, s21;
	_ =	swait.ge [sflag:s14], $0x2000  }
0x6f: {  	[sflag:s14] =	ssyncset.done $0x0  }
0x70: {  	[sflag:s14] =	ssyncadd.s32 $0xFFFFE000  }
0x71: {  	_ =	swait.ge [sflag:s14], $0x2000  }
0x72: {  	s22 =	sshra.s32 s22, $0x2;
	[sflag:s14] =	ssyncset.done $0x0  }
0x73: {  	s24 =	sadd.s32 $0x1400, s22;
	[sflag:s14] =	ssyncadd.s32 $0xFFFFE000  }
0x74: {  	[spmem:s2] =	stream.indirect.scatter.add.f32 [tilespmem:s28], [sflag:$0x3], $0x80, s24, s5, $0x2000b8;
	[tilespmem:$0x1E800] =	vst v63  }
0x75: {  	_ =	swait.ge [sflag:s15], $0x2000  }
0x76: {  	[sflag:s15] =	ssyncset.done $0x0  }
0x77: {  	[sflag:s15] =	ssyncadd.s32 $0xFFFFE000  }
0x78: {  	_ =	swait.ge [sflag:s15], $0x2000  }
0x79: {  	[sflag:s15] =	ssyncset.done $0x0  }
0x7a: {  	s24 =	sadd.s32 $0x1480, s22;
	[sflag:s15] =	ssyncadd.s32 $0xFFFFE000  }
0x7b: {  	[spmem:s2] =	stream.indirect.scatter.add.f32 [tilespmem:s9], [sflag:$0x4], $0x80, s24, s5, $0x2000b8;
	[tilespmem:$0x1E800] =	vst v63  }
0x7c: {  	_ =	swait.ge [sflag:s30], $0x4000  }
0x7d: {  	[sflag:s30] =	ssyncset.done $0x0  }
0x7e: {  	s24 =	sadd.s32 $0x100, s22;
	[sflag:s30] =	ssyncadd.s32 $0xFFFFC000  }
0x7f: {  	[tilespmem:s28], [sflag:$0x1] =	stream.indirect.gather [hbm4b:s1+s0], $0x80, s24, s0, $0x2000b8;
	[tilespmem:$0x1E800] =	vst v63  }
0x80: {  	s24 =	sadd.s32 $0x140, s22  }
0x81: {  	[tilespmem:s3], [sflag:$0x1] =	stream.indirect.gather [hbm4b:s1+s0], $0x80, s24, s0, $0x2000b8;
	[tilespmem:$0x1E800] =	vst v63  }
.Ltmp0:
0x82: {  	_ =	swait.ge [sflag:s16], $0x4000;
	(pc) =	sbr.rel @p0 .LBB2_2-.Ltmp0, $4  }
0x83: {  	[sflag:s16] =	ssyncset.done $0x0  }
0x84: {  	s24 =	sadd.s32 $0x180, s22;
	[sflag:s16] =	ssyncadd.s32 $0xFFFFC000  }
0x85: {  	[tilespmem:s9], [sflag:$0x2] =	stream.indirect.gather [hbm4b:s1+s0], $0x80, s24, s0, $0x2000b8;
	[tilespmem:$0x1E800] =	vst v63  }
0x86: {  	s22 =	sadd.s32 $0x1C0, s22  }
0x87: {  	[tilespmem:s13], [sflag:$0x2] =	stream.indirect.gather [hbm4b:s1+s0], $0x80, s22, s0, $0x2000b8;
	[tilespmem:$0x1E800] =	vst v63  }
0x88: {  	_ =	swait.ge [sflag:s14], $0x2000  }
0x89: {  	[sflag:s14] =	ssyncset.done $0x0  }
0x8a: {  	[sflag:s14] =	ssyncadd.s32 $0xFFFFE000  }
0x8b: {  	_ =	swait.ge [sflag:s14], $0x2000  }
0x8c: {  	[sflag:s14] =	ssyncset.done $0x0  }
0x8d: {  	[sflag:s14] =	ssyncadd.s32 $0xFFFFE000  }
0x8e: {  	[spmem:s2] =	stream.indirect.scatter.add.f32 [tilespmem:s28], [sflag:$0x3], $0x80, s17, s5, $0x2000b8;
	[tilespmem:$0x1E800] =	vst v63  }
0x8f: {  	_ =	swait.ge [sflag:s15], $0x2000  }
0x90: {  	[sflag:s15] =	ssyncset.done $0x0  }
0x91: {  	[sflag:s15] =	ssyncadd.s32 $0xFFFFE000  }
0x92: {  	_ =	swait.ge [sflag:s15], $0x2000  }
0x93: {  	[sflag:s15] =	ssyncset.done $0x0  }
0x94: {  	[sflag:s15] =	ssyncadd.s32 $0xFFFFE000  }
0x95: {  	[spmem:s2] =	stream.indirect.scatter.add.f32 [tilespmem:s9], [sflag:$0x4], $0x80, s18, s5, $0x2000b8;
	[tilespmem:$0x1E800] =	vst v63  }
0x96: {  	_ =	swait.ge [sflag:s30], $0x4000  }
0x97: {  	[sflag:s30] =	ssyncset.done $0x0  }
0x98: {  	[sflag:s30] =	ssyncadd.s32 $0xFFFFC000  }
0x99: {  	_ =	swait.ge [sflag:s16], $0x4000  }
0x9a: {  	[sflag:s16] =	ssyncset.done $0x0  }
0x9b: {  	[sflag:s16] =	ssyncadd.s32 $0xFFFFC000  }
0x9c: {  	_ =	strace $0x9000004A  }
0x9d: {  	s21 =	simm.s32 $0x0;
	s24 =	rddreg [dreg:$0x7]  }
0x9e: {  	[tilespmem:s21], [sflag:$0x5] =	stream.linear.gather [hbm4b:s24+s21], $0x1400, $0x38;
	[tilespmem:$0x1E800] =	vst v63  }
0x9f: {  	_ =	swait.ge [sflag:s29], $0x1400  }
0xa0: {  	[sflag:s29] =	ssyncset.done $0x0  }
0xa1: {  	[sflag:s29] =	ssyncadd.s32 $0xFFFFEC00  }
0xa2: {  	[tilespmem:s31], [sflag:$0x5] =	stream.linear.gather [hbm4b:s12+s21], $0x1400, $0x38;
	[tilespmem:$0x1E800] =	vst v63  }
0xa3: {  	_ =	swait.ge [sflag:s29], $0x1400  }
0xa4: {  	[sflag:s29] =	ssyncset.done $0x0  }
0xa5: {  	[sflag:s29] =	ssyncadd.s32 $0xFFFFEC00  }
0xa6: {  	[tilespmem:s28], [sflag:$0x1] =	stream.indirect.gather [hbm4b:s1+s0], $0x80, s21, s0, $0xb8;
	[tilespmem:$0x1E800] =	vst v63  }
0xa7: {  	_ = 	snop  }
0xa8: {  	[tilespmem:s3], [sflag:$0x1] =	stream.indirect.gather [hbm4b:s1+s0], $0x80, s0, s0, $0xb8;
	[tilespmem:$0x1E800] =	vst v63  }
0xa9: {  	_ = 	snop  }
0xaa: {  	[tilespmem:s9], [sflag:$0x2] =	stream.indirect.gather [hbm4b:s1+s0], $0x80, s5, s0, $0xb8;
	[tilespmem:$0x1E800] =	vst v63  }
0xab: {  	_ = 	snop  }
0xac: {  	[tilespmem:s13], [sflag:$0x2] =	stream.indirect.gather [hbm4b:s1+s0], $0x80, s11, s0, $0xb8;
	[tilespmem:$0x1E800] =	vst v63  }
0xad: {  	_ =	strace $0x8000004B  }
0xae: {  	_ =	swait.ge [sflag:s14], $0x2000  }
0xaf: {  	[sflag:s14] =	ssyncset.done $0x0  }
0xb0: {  	[sflag:s14] =	ssyncadd.s32 $0xFFFFE000  }
0xb1: {  	_ =	swait.ge [sflag:s14], $0x2000  }
0xb2: {  	[sflag:s14] =	ssyncset.done $0x0  }
0xb3: {  	s24 =	simm.s32 $0x1400;
	[sflag:s14] =	ssyncadd.s32 $0xFFFFE000  }
0xb4: {  	[spmem:s2] =	stream.indirect.scatter.add.f32 [tilespmem:s28], [sflag:$0x3], $0x80, s24, s5, $0x2000b8;
	[tilespmem:$0x1E800] =	vst v63  }
0xb5: {  	_ =	swait.ge [sflag:s15], $0x2000  }
0xb6: {  	[sflag:s15] =	ssyncset.done $0x0  }
0xb7: {  	[sflag:s15] =	ssyncadd.s32 $0xFFFFE000  }
0xb8: {  	_ =	swait.ge [sflag:s15], $0x2000  }
0xb9: {  	[sflag:s15] =	ssyncset.done $0x0  }
0xba: {  	s22 =	simm.s32 $0x1480;
	[sflag:s15] =	ssyncadd.s32 $0xFFFFE000  }
0xbb: {  	[spmem:s2] =	stream.indirect.scatter.add.f32 [tilespmem:s9], [sflag:$0x4], $0x80, s22, s5, $0x2000b8;
	[tilespmem:$0x1E800] =	vst v63  }
0xbc: {  	_ =	swait.ge [sflag:s30], $0x4000  }
0xbd: {  	[sflag:s30] =	ssyncset.done $0x0  }
0xbe: {  	s24 =	simm.s32 $0x100;
	[sflag:s30] =	ssyncadd.s32 $0xFFFFC000  }
0xbf: {  	[tilespmem:s28], [sflag:$0x1] =	stream.indirect.gather [hbm4b:s1+s0], $0x80, s24, s0, $0x2000b8;
	[tilespmem:$0x1E800] =	vst v63  }
0xc0: {  	s22 =	simm.s32 $0x140  }
0xc1: {  	[tilespmem:s3], [sflag:$0x1] =	stream.indirect.gather [hbm4b:s1+s0], $0x80, s22, s0, $0x2000b8;
	[tilespmem:$0x1E800] =	vst v63  }
0xc2: {  	_ =	swait.ge [sflag:s16], $0x4000  }
0xc3: {  	s21 =	simm.s32 $0x400;
	[sflag:s16] =	ssyncset.done $0x0  }
0xc4: {  	s24 =	simm.s32 $0x180;
	s22 =	simm.s32 $0x1C0;
	[sflag:s16] =	ssyncadd.s32 $0xFFFFC000  }
0xc5: {  	[tilespmem:s9], [sflag:$0x2] =	stream.indirect.gather [hbm4b:s1+s0], $0x80, s24, s0, $0x2000b8;
	[tilespmem:$0x1E800] =	vst v63  }
.LBB2_4:
0xc6: {  	[tilespmem:s13], [sflag:$0x2] =	stream.indirect.gather [hbm4b:s1+s0], $0x80, s22, s0, $0x2000b8;
	[tilespmem:$0x1E800] =	vst v63  }
0xc7: {  	s22 =	smov.u32 s21  }
0xc8: {  	p0 =	sne.s32 s21, $0x4800;
	s21 =	sadd.s32 $0x400, s21;
	_ =	swait.ge [sflag:s14], $0x2000  }
0xc9: {  	[sflag:s14] =	ssyncset.done $0x0  }
0xca: {  	[sflag:s14] =	ssyncadd.s32 $0xFFFFE000  }
0xcb: {  	_ =	swait.ge [sflag:s14], $0x2000  }
0xcc: {  	s22 =	sshra.s32 s22, $0x2;
	[sflag:s14] =	ssyncset.done $0x0  }
0xcd: {  	s24 =	sadd.s32 $0x1400, s22;
	[sflag:s14] =	ssyncadd.s32 $0xFFFFE000  }
0xce: {  	[spmem:s2] =	stream.indirect.scatter.add.f32 [tilespmem:s28], [sflag:$0x3], $0x80, s24, s5, $0x2000b8;
	[tilespmem:$0x1E800] =	vst v63  }
0xcf: {  	_ =	swait.ge [sflag:s15], $0x2000  }
0xd0: {  	[sflag:s15] =	ssyncset.done $0x0  }
0xd1: {  	[sflag:s15] =	ssyncadd.s32 $0xFFFFE000  }
0xd2: {  	_ =	swait.ge [sflag:s15], $0x2000  }
0xd3: {  	[sflag:s15] =	ssyncset.done $0x0  }
0xd4: {  	s24 =	sadd.s32 $0x1480, s22;
	[sflag:s15] =	ssyncadd.s32 $0xFFFFE000  }
0xd5: {  	[spmem:s2] =	stream.indirect.scatter.add.f32 [tilespmem:s9], [sflag:$0x4], $0x80, s24, s5, $0x2000b8;
	[tilespmem:$0x1E800] =	vst v63  }
0xd6: {  	_ =	swait.ge [sflag:s30], $0x4000  }
0xd7: {  	[sflag:s30] =	ssyncset.done $0x0  }
0xd8: {  	s24 =	sadd.s32 $0x100, s22;
	[sflag:s30] =	ssyncadd.s32 $0xFFFFC000  }
0xd9: {  	[tilespmem:s28], [sflag:$0x1] =	stream.indirect.gather [hbm4b:s1+s0], $0x80, s24, s0, $0x2000b8;
	[tilespmem:$0x1E800] =	vst v63  }
0xda: {  	s24 =	sadd.s32 $0x140, s22  }
0xdb: {  	[tilespmem:s3], [sflag:$0x1] =	stream.indirect.gather [hbm4b:s1+s0], $0x80, s24, s0, $0x2000b8;
	[tilespmem:$0x1E800] =	vst v63  }
.Ltmp1:
0xdc: {  	_ =	swait.ge [sflag:s16], $0x4000;
	(pc) =	sbr.rel @p0 .LBB2_4-.Ltmp1, $4  }
0xdd: {  	[sflag:s16] =	ssyncset.done $0x0  }
0xde: {  	s24 =	sadd.s32 $0x180, s22;
	[sflag:s16] =	ssyncadd.s32 $0xFFFFC000  }
0xdf: {  	[tilespmem:s9], [sflag:$0x2] =	stream.indirect.gather [hbm4b:s1+s0], $0x80, s24, s0, $0x2000b8;
	[tilespmem:$0x1E800] =	vst v63  }
0xe0: {  	s22 =	sadd.s32 $0x1C0, s22  }
0xe1: {  	[tilespmem:s13], [sflag:$0x2] =	stream.indirect.gather [hbm4b:s1+s0], $0x80, s22, s0, $0x2000b8;
	[tilespmem:$0x1E800] =	vst v63  }
0xe2: {  	_ =	swait.ge [sflag:s14], $0x2000  }
0xe3: {  	[sflag:s14] =	ssyncset.done $0x0  }
0xe4: {  	[sflag:s14] =	ssyncadd.s32 $0xFFFFE000  }
0xe5: {  	_ =	swait.ge [sflag:s14], $0x2000  }
0xe6: {  	[sflag:s14] =	ssyncset.done $0x0  }
0xe7: {  	[sflag:s14] =	ssyncadd.s32 $0xFFFFE000  }
0xe8: {  	[spmem:s2] =	stream.indirect.scatter.add.f32 [tilespmem:s28], [sflag:$0x3], $0x80, s17, s5, $0x2000b8;
	[tilespmem:$0x1E800] =	vst v63  }
0xe9: {  	_ =	swait.ge [sflag:s15], $0x2000  }
0xea: {  	[sflag:s15] =	ssyncset.done $0x0  }
0xeb: {  	[sflag:s15] =	ssyncadd.s32 $0xFFFFE000  }
0xec: {  	_ =	swait.ge [sflag:s15], $0x2000  }
0xed: {  	[sflag:s15] =	ssyncset.done $0x0  }
0xee: {  	[sflag:s15] =	ssyncadd.s32 $0xFFFFE000  }
0xef: {  	[spmem:s2] =	stream.indirect.scatter.add.f32 [tilespmem:s9], [sflag:$0x4], $0x80, s18, s5, $0x2000b8;
	[tilespmem:$0x1E800] =	vst v63  }
0xf0: {  	_ =	swait.ge [sflag:s30], $0x4000  }
0xf1: {  	[sflag:s30] =	ssyncset.done $0x0  }
0xf2: {  	[sflag:s30] =	ssyncadd.s32 $0xFFFFC000  }
0xf3: {  	_ =	swait.ge [sflag:s16], $0x4000  }
0xf4: {  	[sflag:s16] =	ssyncset.done $0x0  }
0xf5: {  	[sflag:s16] =	ssyncadd.s32 $0xFFFFC000  }
0xf6: {  	_ =	strace $0x9000004B  }
0xf7: {  	[bflag:$0x0] =	sbarrier.arrive $0xFFFF  }
0xf8: {  	_ =	strace $0x8000004C  }
0xf9: {  	[tilespmem:s28], [sflag:$0x1] =	stream.linear.gather [spmem:s6], $0x4000, $0x200038;
	[tilespmem:$0x1E800] =	vst v63  }
0xfa: {  	_ =	swait.ge [sflag:s14], $0x4000  }
0xfb: {  	[sflag:s14] =	ssyncset.done $0x0  }
0xfc: {  	s21 =	rddreg [dreg:$0x8];
	[sflag:s14] =	ssyncadd.s32 $0xFFFFC000  }
0xfd: {  	[hbm4b:s21+s4] =	stream.linear.scatter [tilespmem:s28], [sflag:$0x3], $0x4000, $0x200038;
	[tilespmem:$0x1E800] =	vst v63  }
0xfe: {  	_ = 	snop  }
0xff: {  	[tilespmem:s9], [sflag:$0x2] =	stream.linear.gather [spmem:s7], $0x4000, $0x200038;
	[tilespmem:$0x1E800] =	vst v63  }
0x100: {  	_ =	swait.ge [sflag:s15], $0x4000  }
0x101: {  	[sflag:s15] =	ssyncset.done $0x0  }
0x102: {  	s22 =	rddreg [dreg:$0x9];
	[sflag:s15] =	ssyncadd.s32 $0xFFFFC000  }
0x103: {  	[hbm4b:s22+s4] =	stream.linear.scatter [tilespmem:s9], [sflag:$0x4], $0x4000, $0x200038;
	[tilespmem:$0x1E800] =	vst v63  }
0x104: {  	_ =	swait.ge [sflag:s30], $0x4000  }
0x105: {  	[sflag:s30] =	ssyncset.done $0x0  }
0x106: {  	[sflag:s30] =	ssyncadd.s32 $0xFFFFC000  }
0x107: {  	[tilespmem:s28], [sflag:$0x1] =	stream.linear.gather [spmem:s8], $0x4000, $0x200038;
	[tilespmem:$0x1E800] =	vst v63  }
0x108: {  	_ =	swait.ge [sflag:s14], $0x4000  }
0x109: {  	[sflag:s14] =	ssyncset.done $0x0  }
0x10a: {  	s24 =	rddreg [dreg:$0xa];
	[sflag:s14] =	ssyncadd.s32 $0xFFFFC000  }
0x10b: {  	[hbm4b:s24+s4] =	stream.linear.scatter [tilespmem:s28], [sflag:$0x3], $0x4000, $0x200038;
	[tilespmem:$0x1E800] =	vst v63  }
0x10c: {  	_ =	swait.ge [sflag:s16], $0x4000  }
0x10d: {  	[sflag:s16] =	ssyncset.done $0x0  }
0x10e: {  	[sflag:s16] =	ssyncadd.s32 $0xFFFFC000  }
0x10f: {  	[tilespmem:s9], [sflag:$0x2] =	stream.linear.gather [spmem:s23], $0x4000, $0x200038;
	[tilespmem:$0x1E800] =	vst v63  }
0x110: {  	_ =	swait.ge [sflag:s15], $0x4000  }
0x111: {  	[sflag:s15] =	ssyncset.done $0x0  }
0x112: {  	s22 =	rddreg [dreg:$0xb];
	[sflag:s15] =	ssyncadd.s32 $0xFFFFC000  }
0x113: {  	[hbm4b:s22+s4] =	stream.linear.scatter [tilespmem:s9], [sflag:$0x4], $0x4000, $0x200038;
	[tilespmem:$0x1E800] =	vst v63  }
0x114: {  	_ =	swait.ge [sflag:s30], $0x4000  }
0x115: {  	[sflag:s30] =	ssyncset.done $0x0  }
0x116: {  	[sflag:s30] =	ssyncadd.s32 $0xFFFFC000  }
0x117: {  	[tilespmem:s28], [sflag:$0x1] =	stream.linear.gather [spmem:s26], $0x4000, $0x200038;
	[tilespmem:$0x1E800] =	vst v63  }
0x118: {  	_ =	swait.ge [sflag:s14], $0x4000  }
0x119: {  	[sflag:s14] =	ssyncset.done $0x0  }
0x11a: {  	s24 =	rddreg [dreg:$0xc];
	[sflag:s14] =	ssyncadd.s32 $0xFFFFC000  }
0x11b: {  	[hbm4b:s24+s4] =	stream.linear.scatter [tilespmem:s28], [sflag:$0x3], $0x4000, $0x200038;
	[tilespmem:$0x1E800] =	vst v63  }
0x11c: {  	_ =	swait.ge [sflag:s16], $0x4000  }
0x11d: {  	[sflag:s16] =	ssyncset.done $0x0  }
0x11e: {  	[sflag:s16] =	ssyncadd.s32 $0xFFFFC000  }
0x11f: {  	_ =	swait.ge [sflag:s30], $0x4000  }
0x120: {  	[sflag:s30] =	ssyncset.done $0x0  }
0x121: {  	[sflag:s30] =	ssyncadd.s32 $0xFFFFC000  }
0x122: {  	_ =	strace $0x9000004C  }
0x123: {  	s22 =	rddreg [dreg:$0x12]  }
0x124: {  	[tilespmem:s28], [sflag:$0x5] =	stream.linear.gather [hbm4b:s22+s4], $0x4000, $0x38;
	[tilespmem:$0x1E800] =	vst v63  }
0x125: {  	_ =	swait.ge [sflag:s29], $0x4000  }
0x126: {  	[sflag:s29] =	ssyncset.done $0x0  }
0x127: {  	[sflag:s29] =	ssyncadd.s32 $0xFFFFC000  }
0x128: {  	[bflag:$0x0] =	sbarrier.arrive $0xFFFF  }
0x129: {  	[tilespmem:s31], [sflag:$0x5] =	stream.linear.gather [hbm4b:s10+s4], $0x1400, $0x38;
	[tilespmem:$0x1E800] =	vst v63  }
0x12a: {  	_ =	swait.ge [sflag:s29], $0x1400  }
0x12b: {  	[sflag:s29] =	ssyncset.done $0x0  }
0x12c: {  	[sflag:s29] =	ssyncadd.s32 $0xFFFFEC00  }
0x12d: {  	_ =	strace $0x8000004D  }
0x12e: {  	[spmem:s2] =	stream.indirect.scatter.add.f32 [tilespmem:s28], [sflag:$0x3], $0x80, s31, s5, $0x2000b8;
	[tilespmem:$0x1E800] =	vst v63  }
0x12f: {  	_ = 	snop  }
0x130: {  	[spmem:s2] =	stream.indirect.scatter.add.f32 [tilespmem:s28], [sflag:$0x4], $0x80, s19, s5, $0x2000b8;
	[tilespmem:$0x1E800] =	vst v63  }
0x131: {  	_ =	swait.ge [sflag:s30], $0x4000  }
0x132: {  	[sflag:s30] =	ssyncset.done $0x0  }
0x133: {  	s24 =	simm.s32 $0x1500;
	[sflag:s30] =	ssyncadd.s32 $0xFFFFC000  }
0x134: {  	[spmem:s2] =	stream.indirect.scatter.add.f32 [tilespmem:s28], [sflag:$0x3], $0x80, s24, s5, $0x2000b8;
	[tilespmem:$0x1E800] =	vst v63  }
0x135: {  	_ =	swait.ge [sflag:s16], $0x4000  }
0x136: {  	[sflag:s16] =	ssyncset.done $0x0  }
0x137: {  	s21 =	simm.s32 $0xFFFFB800;
	s22 =	simm.s32 $0x1580;
	[sflag:s16] =	ssyncadd.s32 $0xFFFFC000  }
.LBB2_6:
0x138: {  	[spmem:s2] =	stream.indirect.scatter.add.f32 [tilespmem:s28], [sflag:$0x4], $0x80, s22, s5, $0x2000b8;
	[tilespmem:$0x1E800] =	vst v63  }
0x139: {  	s22 =	smov.u32 s21  }
0x13a: {  	p0 =	sne.s32 s21, $0xFFFFFC00;
	s21 =	sadd.s32 $0x400, s21;
	_ =	swait.ge [sflag:s30], $0x4000  }
0x13b: {  	s22 =	sshra.s32 s22, $0x2;
	[sflag:s30] =	ssyncset.done $0x0  }
.Ltmp2:
0x13c: {  	s24 =	sadd.s32 $0x2800, s22;
	[sflag:s30] =	ssyncadd.s32 $0xFFFFC000;
	(pc) =	sbr.rel @p0 .LBB2_6-.Ltmp2, $4  }
0x13d: {  	[spmem:s2] =	stream.indirect.scatter.add.f32 [tilespmem:s28], [sflag:$0x3], $0x80, s24, s5, $0x2000b8;
	[tilespmem:$0x1E800] =	vst v63  }
0x13e: {  	_ =	swait.ge [sflag:s16], $0x4000  }
0x13f: {  	[sflag:s16] =	ssyncset.done $0x0  }
0x140: {  	s22 =	sadd.s32 $0x2880, s22;
	[sflag:s16] =	ssyncadd.s32 $0xFFFFC000  }
0x141: {  	[spmem:s2] =	stream.indirect.scatter.add.f32 [tilespmem:s28], [sflag:$0x4], $0x80, s22, s5, $0x2000b8;
	[tilespmem:$0x1E800] =	vst v63  }
0x142: {  	_ =	swait.ge [sflag:s30], $0x4000  }
0x143: {  	[sflag:s30] =	ssyncset.done $0x0  }
0x144: {  	[sflag:s30] =	ssyncadd.s32 $0xFFFFC000  }
0x145: {  	_ =	swait.ge [sflag:s16], $0x4000  }
0x146: {  	[sflag:s16] =	ssyncset.done $0x0  }
0x147: {  	[sflag:s16] =	ssyncadd.s32 $0xFFFFC000  }
0x148: {  	_ =	strace $0x9000004D  }
0x149: {  	[tilespmem:s31], [sflag:$0x5] =	stream.linear.gather [hbm4b:s12+s4], $0x1400, $0x38;
	[tilespmem:$0x1E800] =	vst v63  }
0x14a: {  	_ =	swait.ge [sflag:s29], $0x1400  }
0x14b: {  	[sflag:s29] =	ssyncset.done $0x0  }
0x14c: {  	[sflag:s29] =	ssyncadd.s32 $0xFFFFEC00  }
0x14d: {  	_ =	strace $0x8000004E  }
0x14e: {  	[spmem:s2] =	stream.indirect.scatter.add.f32 [tilespmem:s28], [sflag:$0x3], $0x80, s31, s5, $0x2000b8;
	[tilespmem:$0x1E800] =	vst v63  }
0x14f: {  	_ = 	snop  }
0x150: {  	[spmem:s2] =	stream.indirect.scatter.add.f32 [tilespmem:s28], [sflag:$0x4], $0x80, s19, s5, $0x2000b8;
	[tilespmem:$0x1E800] =	vst v63  }
0x151: {  	_ =	swait.ge [sflag:s30], $0x4000  }
0x152: {  	[sflag:s30] =	ssyncset.done $0x0  }
0x153: {  	s21 =	simm.s32 $0x1500;
	[sflag:s30] =	ssyncadd.s32 $0xFFFFC000  }
0x154: {  	[spmem:s2] =	stream.indirect.scatter.add.f32 [tilespmem:s28], [sflag:$0x3], $0x80, s21, s5, $0x2000b8;
	[tilespmem:$0x1E800] =	vst v63  }
0x155: {  	_ =	swait.ge [sflag:s16], $0x4000  }
0x156: {  	[sflag:s16] =	ssyncset.done $0x0  }
0x157: {  	s22 =	simm.s32 $0x1580;
	s21 =	simm.s32 $0xFFFFB800;
	[sflag:s16] =	ssyncadd.s32 $0xFFFFC000  }
.LBB2_8:
0x158: {  	[spmem:s2] =	stream.indirect.scatter.add.f32 [tilespmem:s28], [sflag:$0x4], $0x80, s22, s5, $0x2000b8;
	[tilespmem:$0x1E800] =	vst v63  }
0x159: {  	s22 =	smov.u32 s21  }
0x15a: {  	p0 =	sne.s32 s21, $0xFFFFFC00;
	s21 =	sadd.s32 $0x400, s21;
	_ =	swait.ge [sflag:s30], $0x4000  }
0x15b: {  	s22 =	sshra.s32 s22, $0x2;
	[sflag:s30] =	ssyncset.done $0x0  }
.Ltmp3:
0x15c: {  	s24 =	sadd.s32 $0x2800, s22;
	[sflag:s30] =	ssyncadd.s32 $0xFFFFC000;
	(pc) =	sbr.rel @p0 .LBB2_8-.Ltmp3, $4  }
0x15d: {  	[spmem:s2] =	stream.indirect.scatter.add.f32 [tilespmem:s28], [sflag:$0x3], $0x80, s24, s5, $0x2000b8;
	[tilespmem:$0x1E800] =	vst v63  }
0x15e: {  	_ =	swait.ge [sflag:s16], $0x4000  }
0x15f: {  	[sflag:s16] =	ssyncset.done $0x0  }
0x160: {  	s22 =	sadd.s32 $0x2880, s22;
	[sflag:s16] =	ssyncadd.s32 $0xFFFFC000  }
0x161: {  	[spmem:s2] =	stream.indirect.scatter.add.f32 [tilespmem:s28], [sflag:$0x4], $0x80, s22, s5, $0x2000b8;
	[tilespmem:$0x1E800] =	vst v63  }
0x162: {  	_ =	swait.ge [sflag:s30], $0x4000  }
0x163: {  	[sflag:s30] =	ssyncset.done $0x0  }
0x164: {  	[sflag:s30] =	ssyncadd.s32 $0xFFFFC000  }
0x165: {  	_ =	swait.ge [sflag:s16], $0x4000  }
0x166: {  	[sflag:s16] =	ssyncset.done $0x0  }
0x167: {  	[sflag:s16] =	ssyncadd.s32 $0xFFFFC000  }
0x168: {  	_ =	strace $0x9000004E  }
0x169: {  	[bflag:$0x0] =	sbarrier.arrive $0xFFFF  }
0x16a: {  	_ =	strace $0x8000004F  }
0x16b: {  	[tilespmem:s28], [sflag:$0x1] =	stream.linear.gather [spmem:s6], $0x4000, $0x200038;
	[tilespmem:$0x1E800] =	vst v63  }
0x16c: {  	_ =	swait.ge [sflag:s14], $0x4000  }
0x16d: {  	[sflag:s14] =	ssyncset.done $0x0  }
0x16e: {  	s21 =	rddreg [dreg:$0xd];
	[sflag:s14] =	ssyncadd.s32 $0xFFFFC000  }
0x16f: {  	[hbm4b:s21+s4] =	stream.linear.scatter [tilespmem:s28], [sflag:$0x3], $0x4000, $0x200038;
	[tilespmem:$0x1E800] =	vst v63  }
0x170: {  	_ = 	snop  }
0x171: {  	[tilespmem:s9], [sflag:$0x2] =	stream.linear.gather [spmem:s7], $0x4000, $0x200038;
	[tilespmem:$0x1E800] =	vst v63  }
0x172: {  	_ =	swait.ge [sflag:s15], $0x4000  }
0x173: {  	[sflag:s15] =	ssyncset.done $0x0  }
0x174: {  	s22 =	rddreg [dreg:$0xe];
	[sflag:s15] =	ssyncadd.s32 $0xFFFFC000  }
0x175: {  	[hbm4b:s22+s4] =	stream.linear.scatter [tilespmem:s9], [sflag:$0x4], $0x4000, $0x200038;
	[tilespmem:$0x1E800] =	vst v63  }
0x176: {  	_ =	swait.ge [sflag:s30], $0x4000  }
0x177: {  	[sflag:s30] =	ssyncset.done $0x0  }
0x178: {  	[sflag:s30] =	ssyncadd.s32 $0xFFFFC000  }
0x179: {  	[tilespmem:s28], [sflag:$0x1] =	stream.linear.gather [spmem:s8], $0x4000, $0x200038;
	[tilespmem:$0x1E800] =	vst v63  }
0x17a: {  	_ =	swait.ge [sflag:s14], $0x4000  }
0x17b: {  	[sflag:s14] =	ssyncset.done $0x0  }
0x17c: {  	s24 =	rddreg [dreg:$0xf];
	[sflag:s14] =	ssyncadd.s32 $0xFFFFC000  }
0x17d: {  	[hbm4b:s24+s4] =	stream.linear.scatter [tilespmem:s28], [sflag:$0x3], $0x4000, $0x200038;
	[tilespmem:$0x1E800] =	vst v63  }
0x17e: {  	_ =	swait.ge [sflag:s16], $0x4000  }
0x17f: {  	[sflag:s16] =	ssyncset.done $0x0  }
0x180: {  	[sflag:s16] =	ssyncadd.s32 $0xFFFFC000  }
0x181: {  	[tilespmem:s9], [sflag:$0x2] =	stream.linear.gather [spmem:s23], $0x4000, $0x200038;
	[tilespmem:$0x1E800] =	vst v63  }
0x182: {  	_ =	swait.ge [sflag:s15], $0x4000  }
0x183: {  	[sflag:s15] =	ssyncset.done $0x0  }
0x184: {  	s22 =	rddreg [dreg:$0x10];
	[sflag:s15] =	ssyncadd.s32 $0xFFFFC000  }
0x185: {  	[hbm4b:s22+s4] =	stream.linear.scatter [tilespmem:s9], [sflag:$0x4], $0x4000, $0x200038;
	[tilespmem:$0x1E800] =	vst v63  }
0x186: {  	_ =	swait.ge [sflag:s30], $0x4000  }
0x187: {  	[sflag:s30] =	ssyncset.done $0x0  }
0x188: {  	[sflag:s30] =	ssyncadd.s32 $0xFFFFC000  }
0x189: {  	[tilespmem:s28], [sflag:$0x1] =	stream.linear.gather [spmem:s26], $0x4000, $0x200038;
	[tilespmem:$0x1E800] =	vst v63  }
0x18a: {  	_ =	swait.ge [sflag:s14], $0x4000  }
0x18b: {  	[sflag:s14] =	ssyncset.done $0x0  }
0x18c: {  	s24 =	rddreg [dreg:$0x11];
	[sflag:s14] =	ssyncadd.s32 $0xFFFFC000  }
0x18d: {  	[hbm4b:s24+s4] =	stream.linear.scatter [tilespmem:s28], [sflag:$0x3], $0x4000, $0x200038;
	[tilespmem:$0x1E800] =	vst v63  }
0x18e: {  	s20 =	sadd.s32 $0x1, s20;
	_ =	swait.ge [sflag:s16], $0x4000  }
0x18f: {  	p0 =	sne.s32 s20, s25;
	[sflag:s16] =	ssyncset.done $0x0  }
.Ltmp4:
0x190: {  	[sflag:s16] =	ssyncadd.s32 $0xFFFFC000;
	(pc) =	sbr.rel @p0 .LBB2_1-.Ltmp4, $4  }
0x191: {  	_ =	swait.ge [sflag:s30], $0x4000  }
0x192: {  	[sflag:s30] =	ssyncset.done $0x0  }
0x193: {  	[sflag:s30] =	ssyncadd.s32 $0xFFFFC000  }
0x194: {  	_ =	strace $0x9000004F  }
0x195: {  	_ =	sfence.sel $0x180000  }
0x196: {  	[bflag:$0x0] =	sbarrier.arrive $0xFFFF  }
0x197: {  	_ =	strace $0x90000047  }
0x198: {  	s0 =	stileid.u32;
	[bflag:$0x2] =	sbarrier.arrive $0xFFFF  }
0x199: {  	p0 =	sne.s32 s0, $0x0;
	s0 =	rddreg [dreg:$0x4]  }
0x19a: {  	s0 =	sadd.s32 @!p0 $0x100000, s0  }
0x19b: {  	[sflag:s0] =	ssyncadd.tile.s32 @!p0 $0x1;
	_ =	shalt  }
.Lfunc_end2:
_tile_overlayer_lowered:
.L_overlay_start_2:
0x19c: {  	(tag) =	ssettag $0x2  }
0x19d: {  	s0 =	rddreg [dreg:$0x0];
	s2 =	stileid.u32  }
0x19e: {  	s1 =	rddreg [dreg:$0x1];
	p0 =	sne.s32 s2, $0x0  }
0x19f: {  	s3 =	rddreg [dreg:$0x2];
	[bflag:$0x3] =	sbarrier.arrive $0xFFFF;
	s2 =	simm.s32 @!p0 $0x1C05  }
0x1a0: {  	[timem:s3], [sflag:s2] =	dma.local @!p0 [hbm:s0], s1  }
0x1a1: {  	s0 =	simm.s32 @!p0 $0x5  }
0x1a2: {  	_ =	swait.ge @!p0 [sflag:s0], s1  }
0x1a3: {  	s1 =	ssub.s32 @!p0 $0x0, s1;
	[sflag:s0] =	ssyncset.done @!p0 $0x0  }
0x1a4: {  	[sflag:s0] =	ssyncadd.s32 @!p0 s1  }
0x1a5: {  	[bflag:$0x3] =	sbarrier.arrive $0xFFFF  }
0x1a6: {  	_ =	shalt  }

</sc_bundles>
